<compile_context>
chip_gen: v7x
topology: tpu7x:2x2x1
jax: 0.10.2.dev20260603
libtpu: 0.0.44.dev20260713+nightly
codegen_flags: <defaults>
</compile_context>

<pallas_src>
import jax
import jax.numpy as jnp
from jax import lax
from jax.experimental import pallas as pl
from jax.experimental.pallas import tpu as pltpu
from jax.experimental.pallas import tpu_sc as plsc

_NC = 2
_NS = 16
_NW = _NC * _NS
_L = 16


def _mm_bias_body(x_ref, w_ref, b_ref, o_ref):
    o_ref[...] = (
        jnp.dot(x_ref[...], w_ref[...], preferred_element_type=jnp.float32)
        + b_ref[...]
    )


def _pack_bf16_pairs(y):
    Hh = y.shape[1] // 2
    yb = y.astype(jnp.bfloat16)
    lo = jax.lax.bitcast_convert_type(yb[:, :Hh], jnp.uint16).astype(jnp.uint32)
    hi = jax.lax.bitcast_convert_type(yb[:, Hh:], jnp.uint16).astype(jnp.uint32)
    return jax.lax.bitcast_convert_type(lo | (hi << 16), jnp.int32)


def _mm_bias_dual_body(x_ref, w_ref, b_ref, o_ref, o32_ref):
    y = (jnp.dot(x_ref[...], w_ref[...], preferred_element_type=jnp.float32)
         + b_ref[...])
    o_ref[...] = y
    o32_ref[...] = _pack_bf16_pairs(y)


def _linear_dual(x, W, b):
    M, D = x.shape
    H = W.shape[1]
    b2 = b.reshape(1, H).astype(jnp.float32)
    return pl.pallas_call(
        _mm_bias_dual_body,
        out_shape=[
            jax.ShapeDtypeStruct((M, H), jnp.float32),
            jax.ShapeDtypeStruct((M, H // 2), jnp.int32),
        ],
    )(x, W, b2)


def _linear(x, W, b, blk=None):
    M, D = x.shape
    H = W.shape[1]
    b2 = b.reshape(1, H).astype(jnp.float32)
    if blk is None:
        return pl.pallas_call(
            _mm_bias_body,
            out_shape=jax.ShapeDtypeStruct((M, H), jnp.float32),
        )(x, W, b2)
    assert M % blk == 0
    return pl.pallas_call(
        _mm_bias_body,
        grid=(M // blk,),
        in_specs=[
            pl.BlockSpec((blk, D), lambda i: (i, 0)),
            pl.BlockSpec((D, H), lambda i: (0, 0)),
            pl.BlockSpec((1, H), lambda i: (0, 0)),
        ],
        out_specs=pl.BlockSpec((blk, H), lambda i: (i, 0)),
        out_shape=jax.ShapeDtypeStruct((M, H), jnp.float32),
    )(x, W, b2)


def _mm_pack_body(x_ref, w_ref, b_ref, o_ref):
    y = (jnp.dot(x_ref[...], w_ref[...], preferred_element_type=jnp.float32)
         + b_ref[...])
    o_ref[...] = _pack_bf16_pairs(y)


def _linear_pack(x, W, b, blk):
    M, D = x.shape
    H = W.shape[1]
    assert H % 2 == 0 and M % blk == 0
    b2 = b.reshape(1, H).astype(jnp.float32)
    return pl.pallas_call(
        _mm_pack_body,
        grid=(M // blk,),
        in_specs=[
            pl.BlockSpec((blk, D), lambda i: (i, 0)),
            pl.BlockSpec((D, H), lambda i: (0, 0)),
            pl.BlockSpec((1, H), lambda i: (0, 0)),
        ],
        out_specs=pl.BlockSpec((blk, H // 2), lambda i: (i, 0)),
        out_shape=jax.ShapeDtypeStruct((M, H // 2), jnp.int32),
    )(x, W, b2)


def _final_body(p_ref, h_ref, wa_ref, ws_ref, b_ref, o_ref):
    agg = p_ref[0] + p_ref[1]
    o_ref[...] = jnp.maximum(
        jnp.dot(agg, wa_ref[...], preferred_element_type=jnp.float32)
        + jnp.dot(h_ref[...], ws_ref[...], preferred_element_type=jnp.float32)
        + b_ref[...],
        0.0,
    )


def _final(p, h, W_agg, W_self, b):
    N, H = h.shape
    return pl.pallas_call(
        _final_body,
        out_shape=jax.ShapeDtypeStruct((N, H), jnp.float32),
    )(p, h, W_agg, W_self, b.reshape(1, H).astype(jnp.float32))


def _sc_aggregate(h32, src, dst, e, H, K=40):
    N = h32.shape[0]
    E = src.shape[0]
    assert E % (_NW * K) == 0
    C = E // (_NW * K)
    EW = C * K
    DT = 10
    RPT = N // DT
    ZR = 40
    assert N % DT == 0 and RPT % ZR == 0 and RPT % 8 == 0 and ZR % 8 == 0
    assert C % 2 == 0 and K % 8 == 0
    HV = H // _L

    mesh = plsc.VectorSubcoreMesh(
        core_axis_name="c", subcore_axis_name="s",
        num_cores=_NC, num_subcores=_NS,
    )

    def body(h_hbm, src_hbm, dst_hbm, e_hbm, out_hbm,
             sidx0, sidx1, didx0, didx1, rows0, rows1, e0, e1, zbuf, acc,
             sg0, sg1, se0, se1, ssi0, ssi1, sdi0, sdi1, sz):
        c = lax.axis_index("c")
        s = lax.axis_index("s")
        wid = s * _NC + c
        sidxs = (sidx0, sidx1)
        didxs = (didx0, didx1)
        rows = (rows0, rows1)
        ebufs = (e0, e1)
        sgs = (sg0, sg1)
        ses = (se0, se1)
        ssis = (ssi0, ssi1)
        sdis = (sdi0, sdi1)
        base = wid * EW

        @pl.when(s < DT)
        def _zero():
            def zfill(i, _):
                zbuf[i // HV, pl.ds((i % HV) * _L, _L)] = (
                    jnp.zeros((_L,), jnp.float32))
                return 0
            lax.fori_loop(0, ZR * HV, zfill, 0)

            def zfire(k, _):
                pltpu.async_copy(zbuf, acc.at[pl.ds(s * RPT + k * ZR, ZR)], sz)
                return 0
            lax.fori_loop(0, RPT // ZR, zfire, 0)

            def zdrain(k, _):
                pltpu.make_async_copy(
                    zbuf, acc.at[pl.ds(s * RPT, ZR)], sz).wait()
                return 0
            lax.fori_loop(0, RPT // ZR, zdrain, 0)

        def load_sidx(i, b):
            pltpu.async_copy(src_hbm.at[pl.ds(base + i * K, K)],
                             sidxs[b], ssis[b])

        def wait_sidx(i, b):
            pltpu.make_async_copy(src_hbm.at[pl.ds(base + i * K, K)],
                                  sidxs[b], ssis[b]).wait()

        def load_didx(i, b):
            pltpu.async_copy(dst_hbm.at[pl.ds(base + i * K, K)],
                             didxs[b], sdis[b])

        def wait_didx(i, b):
            pltpu.make_async_copy(dst_hbm.at[pl.ds(base + i * K, K)],
                                  didxs[b], sdis[b]).wait()

        def issue(i, b):
            pltpu.async_copy(h_hbm.at[sidxs[b]], rows[b], sgs[b])
            pltpu.async_copy(e_hbm.at[pl.ds(base + i * K, K)], ebufs[b], ses[b])

        def wait(i, b):
            pltpu.make_async_copy(h_hbm.at[sidxs[b]], rows[b], sgs[b]).wait()
            pltpu.make_async_copy(
                e_hbm.at[pl.ds(base + i * K, K)], ebufs[b], ses[b]).wait()

        def compute(b):
            rv, ev = rows[b], ebufs[b]
            HW = HV // 2

            @plsc.parallel_loop(0, K * HW, unroll=4)
            def _(t):
                r = t // HW
                m = t % HW
                packed = ev[r, pl.ds(m * _L, _L)]
                elo = jax.lax.bitcast_convert_type(packed << 16, jnp.float32)
                ehi = jax.lax.bitcast_convert_type(
                    packed & jnp.int32(-65536), jnp.float32)
                sl_lo = pl.ds(m * _L, _L)
                sl_hi = pl.ds(HW * _L + m * _L, _L)
                rv[r, sl_lo] = jnp.maximum(rv[r, sl_lo] + elo, 0.0)
                rv[r, sl_hi] = jnp.maximum(rv[r, sl_hi] + ehi, 0.0)

        load_sidx(0, 0)
        load_didx(0, 0)
        load_sidx(1, 1)
        load_didx(1, 1)
        wait_sidx(0, 0)
        issue(0, 0)
        wait_sidx(1, 1)
        issue(1, 1)
        plsc.subcore_barrier()

        def half(j, b):
            i = 2 * j + b
            wait(i, b)

            @pl.when(i + 2 < C)
            def _():
                load_sidx(i + 2, b)
            compute(b)
            wait_didx(i, b)
            pltpu.sync_copy(rows[b], acc.at[didxs[b]], add=True)

            @pl.when(i + 2 < C)
            def _():
                load_didx(i + 2, b)
                wait_sidx(i + 2, b)
                issue(i + 2, b)

        def pairbody(j, _):
            half(j, 0)
            half(j, 1)
            return 0
        lax.fori_loop(0, C // 2, pairbody, 0)
        plsc.subcore_barrier()

        @pl.when(s < DT)
        def _dump():
            pltpu.sync_copy(acc.at[pl.ds(s * RPT, RPT)],
                            out_hbm.at[c, pl.ds(s * RPT, RPT)])

    kern = pl.kernel(
        body,
        out_type=jax.ShapeDtypeStruct((_NC, N, H), jnp.float32),
        mesh=mesh,
        scratch_types=[
            pltpu.VMEM((K,), jnp.int32),
            pltpu.VMEM((K,), jnp.int32),
            pltpu.VMEM((K,), jnp.int32),
            pltpu.VMEM((K,), jnp.int32),
            pltpu.VMEM((K, H), jnp.float32),
            pltpu.VMEM((K, H), jnp.float32),
            pltpu.VMEM((K, H // 2), jnp.int32),
            pltpu.VMEM((K, H // 2), jnp.int32),
            pltpu.VMEM((ZR, H), jnp.float32),
            pltpu.VMEM_SHARED((N, H), jnp.float32),
            pltpu.SemaphoreType.DMA,
            pltpu.SemaphoreType.DMA,
            pltpu.SemaphoreType.DMA,
            pltpu.SemaphoreType.DMA,
            pltpu.SemaphoreType.DMA,
            pltpu.SemaphoreType.DMA,
            pltpu.SemaphoreType.DMA,
            pltpu.SemaphoreType.DMA,
            pltpu.SemaphoreType.DMA,
        ],
    )
    return kern(h32, src, dst, e)


def kernel(x, edge_index, edge_attr,
           W_node, b_node, W_edge, b_edge, W_agg, W_self, b_gnn):
    h = _linear(x.astype(jnp.float32), W_node, b_node)
    e = _linear_pack(edge_attr.astype(jnp.float32), W_edge, b_edge, blk=8000)
    p = _sc_aggregate(h, edge_index[0], edge_index[1], e, H=h.shape[1])
    return _final(p, h, W_agg, W_self, b_gnn)

# --- scband reference (transcript-rebuilt; emitter-appended) ---
"""Pipeline reference for scband-encoder-43061342109883 (READ-ONLY COPY).

The authoritative reference and input builder live on the scoring server;
editing this copy changes nothing except your own understanding.
"""

import jax, jax.numpy as jnp
import numpy as np

N = 10000
E = 320000
D_FEAT = 128
D_EDGE = 16
H = 128


def setup_inputs(seed: int = 0) -> dict:
    key = jax.random.key(seed)
    ks = jax.random.split(key, 12)
    x = jax.random.normal(ks[0], (N, D_FEAT), dtype=jnp.float32)
    edge_index = jax.random.randint(ks[1], (2, E), 0, N, dtype=jnp.int32)
    edge_attr = jax.random.normal(ks[2], (E, D_EDGE), dtype=jnp.float32)
    # node_encoder: Linear(D_FEAT -> H)
    W_node = jax.random.normal(ks[3], (D_FEAT, H), dtype=jnp.float32) * (1.0 / np.sqrt(D_FEAT))
    b_node = jnp.zeros((H,), dtype=jnp.float32)
    # edge_encoder: Linear(D_EDGE -> H)
    W_edge = jax.random.normal(ks[4], (D_EDGE, H), dtype=jnp.float32) * (1.0 / np.sqrt(D_EDGE))
    b_edge = jnp.zeros((H,), dtype=jnp.float32)
    # gnn params
    W_agg = jax.random.normal(ks[5], (H, H), dtype=jnp.float32) * (1.0 / np.sqrt(H))
    W_self = jax.random.normal(ks[6], (H, H), dtype=jnp.float32) * (1.0 / np.sqrt(H))
    b_gnn = jnp.zeros((H,), dtype=jnp.float32)
    return {
        "x": x,
        "edge_index": edge_index,
        "edge_attr": edge_attr,
        "W_node": W_node,
        "b_node": b_node,
        "W_edge": W_edge,
        "b_edge": b_edge,
        "W_agg": W_agg,
        "W_self": W_self,
        "b_gnn": b_gnn,
    }


def reference(x, edge_index, edge_attr, W_node, b_node, W_edge, b_edge, W_agg, W_self, b_gnn):
    # node_encoder
    h = x @ W_node + b_node
    # edge_encoder
    e = edge_attr @ W_edge + b_edge
    # gnn (message passing with scatter-add aggregation)
    h = h.astype(jnp.float32)
    e = e.astype(jnp.float32)
    src = edge_index[0]
    dst = edge_index[1]
    msg = jax.nn.relu(h[src] + e)
    agg = jax.ops.segment_sum(msg, dst, num_segments=N)
    out = jax.nn.relu(agg @ W_agg + h @ W_self + b_gnn)
    return out

if __name__ == "__main__":
    import jax
    _d = setup_inputs()
    print(jax.jit(kernel)(*tuple(_d.values())))

</pallas_src>

<mosaic_0001>
#map = affine_map<(d0, d1) -> (0, 0)>
#map1 = affine_map<(d0, d1) -> (0)>
#map2 = affine_map<(d0, d1) -> (0, 0, 0)>
module attributes {stable_mosaic.version = 14 : i64} {
  func.func @body(%arg0: i32, %arg1: i32, %arg2: memref<10000x128xf32, #tpu.memory_space<hbm>>, %arg3: memref<320000xi32, #tpu.memory_space<hbm>>, %arg4: memref<320000xi32, #tpu.memory_space<hbm>>, %arg5: memref<320000x64xi32, #tpu.memory_space<hbm>>, %arg6: memref<2x10000x128xf32, #tpu.memory_space<hbm>>, %arg7: memref<40xi32, #tpu.memory_space<vmem>>, %arg8: memref<40xi32, #tpu.memory_space<vmem>>, %arg9: memref<40xi32, #tpu.memory_space<vmem>>, %arg10: memref<40xi32, #tpu.memory_space<vmem>>, %arg11: memref<40x128xf32, #tpu.memory_space<vmem>>, %arg12: memref<40x128xf32, #tpu.memory_space<vmem>>, %arg13: memref<40x64xi32, #tpu.memory_space<vmem>>, %arg14: memref<40x64xi32, #tpu.memory_space<vmem>>, %arg15: memref<40x128xf32, #tpu.memory_space<vmem>>, %arg16: memref<10000x128xf32, #tpu.memory_space<vmem_shared>>, %arg17: memref<!tpu.dma_semaphore, #tpu.memory_space<semaphore_mem>>, %arg18: memref<!tpu.dma_semaphore, #tpu.memory_space<semaphore_mem>>, %arg19: memref<!tpu.dma_semaphore, #tpu.memory_space<semaphore_mem>>, %arg20: memref<!tpu.dma_semaphore, #tpu.memory_space<semaphore_mem>>, %arg21: memref<!tpu.dma_semaphore, #tpu.memory_space<semaphore_mem>>, %arg22: memref<!tpu.dma_semaphore, #tpu.memory_space<semaphore_mem>>, %arg23: memref<!tpu.dma_semaphore, #tpu.memory_space<semaphore_mem>>, %arg24: memref<!tpu.dma_semaphore, #tpu.memory_space<semaphore_mem>>, %arg25: memref<!tpu.dma_semaphore, #tpu.memory_space<semaphore_mem>>) attributes {dimension_semantics = [#tpu.dimension_semantics<core_parallel>, #tpu.dimension_semantics<subcore_parallel>], iteration_bounds = array<i64: 2, 16>, scalar_prefetch = 0 : i64, scratch_operands = 19 : i64, tpu.core_type = #tpu.core_type<sc_vector_subcore>, window_params = [{transform_indices = #map}, {transform_indices = #map1}, {transform_indices = #map1}, {transform_indices = #map}, {transform_indices = #map2}]} {
    %mul3A = arith.constant 2 : i32
    %mul3A_0 = arith.muli %arg1, %mul3A : i32
    %add3A = arith.addi %mul3A_0, %arg0 : i32
    %mul3A_1 = arith.constant 10000 : i32
    %mul3A_2 = arith.muli %add3A, %mul3A_1 : i32
    %lt3A = arith.constant 10 : i32
    %lt3A_3 = arith.cmpi slt, %arg1, %lt3A : i32
    %convert_element_type3A = arith.extui %lt3A_3 : i1 to i32
    %cond3A = arith.constant 0 : i32
    %cond3A_4 = arith.cmpi ne, %convert_element_type3A, %cond3A : i32
    scf.if %cond3A_4 {
      %scan3A_57 = arith.constant 0 : i32
      %scan3A_58 = arith.constant 0 : i32
      %scan3A_59 = arith.constant 320 : i32
      %scan3A_60 = arith.addi %scan3A_58, %scan3A_59 : i32
      %scan3A_61 = arith.constant 1 : i32
      %scan3A_62 = scf.for %scan3A_78 = %scan3A_58 to %scan3A_60 step %scan3A_61 iter_args(%scan3A_79 = %scan3A_57) -> (i32)  : i32 {
        %broadcast_in_dim3A = arith.constant 0.000000e+00 : f32
        %broadcast_in_dim3A_80 = vector.broadcast %broadcast_in_dim3A : f32 to vector<16xf32>
        %jit3A = arith.constant 8 : i32
        %div3A = arith.divsi %scan3A_78, %jit3A : i32
        %sign3A = arith.constant 0 : i32
        %sign3A_81 = arith.cmpi sgt, %scan3A_78, %sign3A : i32
        %sign3A_82 = arith.extui %sign3A_81 : i1 to i32
        %sign3A_83 = arith.constant 0 : i32
        %sign3A_84 = arith.cmpi slt, %scan3A_78, %sign3A_83 : i32
        %sign3A_85 = arith.extui %sign3A_84 : i1 to i32
        %sign3A_86 = arith.subi %sign3A_82, %sign3A_85 : i32
        %sign3A_87 = arith.constant 0 : i32
        %sign3A_88 = arith.cmpi sgt, %jit3A, %sign3A_87 : i32
        %sign3A_89 = arith.extui %sign3A_88 : i1 to i32
        %sign3A_90 = arith.constant 0 : i32
        %sign3A_91 = arith.cmpi slt, %jit3A, %sign3A_90 : i32
        %sign3A_92 = arith.extui %sign3A_91 : i1 to i32
        %sign3A_93 = arith.subi %sign3A_89, %sign3A_92 : i32
        %ne3A = arith.cmpi ne, %sign3A_86, %sign3A_93 : i32
        %rem3A = arith.remsi %scan3A_78, %jit3A : i32
        %ne3A_94 = arith.constant 0 : i32
        %ne3A_95 = arith.cmpi ne, %rem3A, %ne3A_94 : i32
        %and3A = arith.andi %ne3A, %ne3A_95 : i1
        %sub3A = arith.constant 1 : i32
        %sub3A_96 = arith.subi %div3A, %sub3A : i32
        %select_n3A = arith.select %and3A, %sub3A_96, %div3A : i32
        %jit3A_97 = arith.constant 8 : i32
        %eq3A = arith.constant 0 : i32
        %eq3A_98 = arith.cmpi eq, %jit3A_97, %eq3A : i32
        %jit3A_99 = arith.constant 1 : i32
        %select_n3A_100 = arith.select %eq3A_98, %jit3A_99, %jit3A_97 : i32
        %rem3A_101 = arith.remsi %scan3A_78, %select_n3A_100 : i32
        %ne3A_102 = arith.constant 0 : i32
        %ne3A_103 = arith.cmpi ne, %rem3A_101, %ne3A_102 : i32
        %lt3A_104 = arith.constant 0 : i32
        %lt3A_105 = arith.cmpi slt, %rem3A_101, %lt3A_104 : i32
        %lt3A_106 = arith.constant 0 : i32
        %lt3A_107 = arith.cmpi slt, %select_n3A_100, %lt3A_106 : i32
        %ne3A_108 = arith.xori %lt3A_105, %lt3A_107 : i1
        %and3A_109 = arith.andi %ne3A_108, %ne3A_103 : i1
        %add3A_110 = arith.addi %rem3A_101, %select_n3A_100 : i32
        %select_n3A_111 = arith.select %and3A_109, %add3A_110, %rem3A_101 : i32
        %mul3A_112 = arith.constant 16 : i32
        %mul3A_113 = arith.muli %select_n3A_111, %mul3A_112 : i32
        %swap3A = arith.index_cast %select_n3A : i32 to index
        %swap3A_114 = arith.index_cast %mul3A_113 : i32 to index
        %swap3A_115 = tpu.vector_load %arg15[%swap3A, %swap3A_114] {strides = array<i32>} : memref<40x128xf32, #tpu.memory_space<vmem>>, vector<1x16xf32>,
        %swap3A_116 = vector.shape_cast %swap3A_115 : vector<1x16xf32> to vector<16xf32>
        %swap3A_117 = vector.shape_cast %broadcast_in_dim3A_80 : vector<16xf32> to vector<1x16xf32>
        tpu.vector_store %arg15[%swap3A, %swap3A_114], %swap3A_117 {strides = array<i32>} : memref<40x128xf32, #tpu.memory_space<vmem>>, vector<1x16xf32>,
        %scan3A_118 = arith.constant 0 : i32
        scf.yield %scan3A_118 : i32
      }
      %scan3A_63 = arith.constant 320 : i32
      %scan3A_64 = arith.constant 0 : i32
      %scan3A_65 = arith.constant 0 : i32
      %scan3A_66 = arith.constant 25 : i32
      %scan3A_67 = arith.addi %scan3A_65, %scan3A_66 : i32
      %scan3A_68 = arith.constant 1 : i32
      %scan3A_69 = scf.for %scan3A_78 = %scan3A_65 to %scan3A_67 step %scan3A_68 iter_args(%scan3A_79 = %scan3A_64) -> (i32)  : i32 {
        %mul3A_80 = arith.constant 1000 : i32
        %mul3A_81 = arith.muli %arg1, %mul3A_80 : i32
        %mul3A_82 = arith.constant 40 : i32
        %mul3A_83 = arith.muli %scan3A_78, %mul3A_82 : i32
        %add3A_84 = arith.addi %mul3A_81, %mul3A_83 : i32
        %dma_start3A_85 = arith.constant 0 : i32
        %dma_start3A_86 = tpu.memref_slice %arg16[%add3A_84, %dma_start3A_85] : memref<10000x128xf32, #tpu.memory_space<vmem_shared>> -> memref<40x128xf32, #tpu.memory_space<vmem_shared>>
        %dma_start3A_87 = arith.constant 0 : i32
        %dma_start3A_88 = tpu.memref_slice %arg16[%add3A_84, %dma_start3A_87] : memref<10000x128xf32, #tpu.memory_space<vmem_shared>> -> memref<40x128xf32, #tpu.memory_space<vmem_shared>>
        tpu.enqueue_dma source(%arg15 : memref<40x128xf32, #tpu.memory_space<vmem>>) target(%dma_start3A_88 : memref<40x128xf32, #tpu.memory_space<vmem_shared>>) target_semaphore(%arg25 : memref<!tpu.dma_semaphore, #tpu.memory_space<semaphore_mem>>)
        %scan3A_89 = arith.constant 0 : i32
        scf.yield %scan3A_89 : i32
      }
      %scan3A_70 = arith.constant 25 : i32
      %scan3A_71 = arith.constant 0 : i32
      %scan3A_72 = arith.constant 0 : i32
      %scan3A_73 = arith.constant 25 : i32
      %scan3A_74 = arith.addi %scan3A_72, %scan3A_73 : i32
      %scan3A_75 = arith.constant 1 : i32
      %scan3A_76 = scf.for %scan3A_78 = %scan3A_72 to %scan3A_74 step %scan3A_75 iter_args(%scan3A_79 = %scan3A_71) -> (i32)  : i32 {
        %mul3A_80 = arith.constant 1000 : i32
        %mul3A_81 = arith.muli %arg1, %mul3A_80 : i32
        %dma_wait3A_82 = arith.constant 0 : i32
        %dma_wait3A_83 = tpu.memref_slice %arg16[%mul3A_81, %dma_wait3A_82] : memref<10000x128xf32, #tpu.memory_space<vmem_shared>> -> memref<40x128xf32, #tpu.memory_space<vmem_shared>>
        %dma_wait3A_84 = arith.constant 0 : i32
        %dma_wait3A_85 = tpu.memref_slice %arg16[%mul3A_81, %dma_wait3A_84] : memref<10000x128xf32, #tpu.memory_space<vmem_shared>> -> memref<40x128xf32, #tpu.memory_space<vmem_shared>>
        tpu.wait_dma2 semaphore(%arg25 : memref<!tpu.dma_semaphore, #tpu.memory_space<semaphore_mem>>) src(%arg15 : memref<40x128xf32, #tpu.memory_space<vmem>>) dst(%dma_wait3A_85 : memref<40x128xf32, #tpu.memory_space<vmem_shared>>)
        %scan3A_86 = arith.constant 0 : i32
        scf.yield %scan3A_86 : i32
      }
      %scan3A_77 = arith.constant 25 : i32
    } else {
    }
    %add3A_5 = arith.constant 0 : i32
    %add3A_6 = arith.addi %mul3A_2, %add3A_5 : i32
    %dma_start3A = tpu.memref_slice %arg3[%add3A_6] : memref<320000xi32, #tpu.memory_space<hbm>> -> memref<40xi32, #tpu.memory_space<hbm>>
    %dma_start3A_7 = tpu.memref_slice %arg3[%add3A_6] : memref<320000xi32, #tpu.memory_space<hbm>> -> memref<40xi32, #tpu.memory_space<hbm>>
    tpu.enqueue_dma source(%dma_start3A_7 : memref<40xi32, #tpu.memory_space<hbm>>) target(%arg7 : memref<40xi32, #tpu.memory_space<vmem>>) target_semaphore(%arg21 : memref<!tpu.dma_semaphore, #tpu.memory_space<semaphore_mem>>)
    %add3A_8 = arith.constant 0 : i32
    %add3A_9 = arith.addi %mul3A_2, %add3A_8 : i32
    %dma_start3A_10 = tpu.memref_slice %arg4[%add3A_9] : memref<320000xi32, #tpu.memory_space<hbm>> -> memref<40xi32, #tpu.memory_space<hbm>>
    %dma_start3A_11 = tpu.memref_slice %arg4[%add3A_9] : memref<320000xi32, #tpu.memory_space<hbm>> -> memref<40xi32, #tpu.memory_space<hbm>>
    tpu.enqueue_dma source(%dma_start3A_11 : memref<40xi32, #tpu.memory_space<hbm>>) target(%arg9 : memref<40xi32, #tpu.memory_space<vmem>>) target_semaphore(%arg23 : memref<!tpu.dma_semaphore, #tpu.memory_space<semaphore_mem>>)
    %add3A_12 = arith.constant 40 : i32
    %add3A_13 = arith.addi %mul3A_2, %add3A_12 : i32
    %dma_start3A_14 = tpu.memref_slice %arg3[%add3A_13] : memref<320000xi32, #tpu.memory_space<hbm>> -> memref<40xi32, #tpu.memory_space<hbm>>
    %dma_start3A_15 = tpu.memref_slice %arg3[%add3A_13] : memref<320000xi32, #tpu.memory_space<hbm>> -> memref<40xi32, #tpu.memory_space<hbm>>
    tpu.enqueue_dma source(%dma_start3A_15 : memref<40xi32, #tpu.memory_space<hbm>>) target(%arg8 : memref<40xi32, #tpu.memory_space<vmem>>) target_semaphore(%arg22 : memref<!tpu.dma_semaphore, #tpu.memory_space<semaphore_mem>>)
    %add3A_16 = arith.constant 40 : i32
    %add3A_17 = arith.addi %mul3A_2, %add3A_16 : i32
    %dma_start3A_18 = tpu.memref_slice %arg4[%add3A_17] : memref<320000xi32, #tpu.memory_space<hbm>> -> memref<40xi32, #tpu.memory_space<hbm>>
    %dma_start3A_19 = tpu.memref_slice %arg4[%add3A_17] : memref<320000xi32, #tpu.memory_space<hbm>> -> memref<40xi32, #tpu.memory_space<hbm>>
    tpu.enqueue_dma source(%dma_start3A_19 : memref<40xi32, #tpu.memory_space<hbm>>) target(%arg10 : memref<40xi32, #tpu.memory_space<vmem>>) target_semaphore(%arg24 : memref<!tpu.dma_semaphore, #tpu.memory_space<semaphore_mem>>)
    %add3A_20 = arith.constant 0 : i32
    %add3A_21 = arith.addi %mul3A_2, %add3A_20 : i32
    %dma_wait3A = tpu.memref_slice %arg3[%add3A_21] : memref<320000xi32, #tpu.memory_space<hbm>> -> memref<40xi32, #tpu.memory_space<hbm>>
    %dma_wait3A_22 = tpu.memref_slice %arg3[%add3A_21] : memref<320000xi32, #tpu.memory_space<hbm>> -> memref<40xi32, #tpu.memory_space<hbm>>
    tpu.wait_dma2 semaphore(%arg21 : memref<!tpu.dma_semaphore, #tpu.memory_space<semaphore_mem>>) src(%dma_wait3A_22 : memref<40xi32, #tpu.memory_space<hbm>>) dst(%arg7 : memref<40xi32, #tpu.memory_space<vmem>>)
    %dma_start3A_23 = arith.constant 0 : i32
    %dma_start3A_24 = arith.constant 0 : i32
    %dma_start3A_25 = tpu.memref_slice %arg2[%dma_start3A_23, %dma_start3A_24] : memref<10000x128xf32, #tpu.memory_space<hbm>> -> memref<10000x128xf32, #tpu.memory_space<hbm>>
    tpu.enqueue_indirect_dma source(%dma_start3A_25 : memref<10000x128xf32, #tpu.memory_space<hbm>>) target(%arg11 : memref<40x128xf32, #tpu.memory_space<vmem>>) offsets(%arg7 : memref<40xi32, #tpu.memory_space<vmem>>) semaphore(%arg17 : memref<!tpu.dma_semaphore, #tpu.memory_space<semaphore_mem>>)
    %add3A_26 = arith.constant 0 : i32
    %add3A_27 = arith.addi %mul3A_2, %add3A_26 : i32
    %dma_start3A_28 = arith.constant 0 : i32
    %dma_start3A_29 = tpu.memref_slice %arg5[%add3A_27, %dma_start3A_28] : memref<320000x64xi32, #tpu.memory_space<hbm>> -> memref<40x64xi32, #tpu.memory_space<hbm>>
    %dma_start3A_30 = arith.constant 0 : i32
    %dma_start3A_31 = tpu.memref_slice %arg5[%add3A_27, %dma_start3A_30] : memref<320000x64xi32, #tpu.memory_space<hbm>> -> memref<40x64xi32, #tpu.memory_space<hbm>>
    tpu.enqueue_dma source(%dma_start3A_31 : memref<40x64xi32, #tpu.memory_space<hbm>>) target(%arg13 : memref<40x64xi32, #tpu.memory_space<vmem>>) target_semaphore(%arg19 : memref<!tpu.dma_semaphore, #tpu.memory_space<semaphore_mem>>)
    %add3A_32 = arith.constant 40 : i32
    %add3A_33 = arith.addi %mul3A_2, %add3A_32 : i32
    %dma_wait3A_34 = tpu.memref_slice %arg3[%add3A_33] : memref<320000xi32, #tpu.memory_space<hbm>> -> memref<40xi32, #tpu.memory_space<hbm>>
    %dma_wait3A_35 = tpu.memref_slice %arg3[%add3A_33] : memref<320000xi32, #tpu.memory_space<hbm>> -> memref<40xi32, #tpu.memory_space<hbm>>
    tpu.wait_dma2 semaphore(%arg22 : memref<!tpu.dma_semaphore, #tpu.memory_space<semaphore_mem>>) src(%dma_wait3A_35 : memref<40xi32, #tpu.memory_space<hbm>>) dst(%arg8 : memref<40xi32, #tpu.memory_space<vmem>>)
    %dma_start3A_36 = arith.constant 0 : i32
    %dma_start3A_37 = arith.constant 0 : i32
    %dma_start3A_38 = tpu.memref_slice %arg2[%dma_start3A_36, %dma_start3A_37] : memref<10000x128xf32, #tpu.memory_space<hbm>> -> memref<10000x128xf32, #tpu.memory_space<hbm>>
    tpu.enqueue_indirect_dma source(%dma_start3A_38 : memref<10000x128xf32, #tpu.memory_space<hbm>>) target(%arg12 : memref<40x128xf32, #tpu.memory_space<vmem>>) offsets(%arg8 : memref<40xi32, #tpu.memory_space<vmem>>) semaphore(%arg18 : memref<!tpu.dma_semaphore, #tpu.memory_space<semaphore_mem>>)
    %add3A_39 = arith.constant 40 : i32
    %add3A_40 = arith.addi %mul3A_2, %add3A_39 : i32
    %dma_start3A_41 = arith.constant 0 : i32
    %dma_start3A_42 = tpu.memref_slice %arg5[%add3A_40, %dma_start3A_41] : memref<320000x64xi32, #tpu.memory_space<hbm>> -> memref<40x64xi32, #tpu.memory_space<hbm>>
    %dma_start3A_43 = arith.constant 0 : i32
    %dma_start3A_44 = tpu.memref_slice %arg5[%add3A_40, %dma_start3A_43] : memref<320000x64xi32, #tpu.memory_space<hbm>> -> memref<40x64xi32, #tpu.memory_space<hbm>>
    tpu.enqueue_dma source(%dma_start3A_44 : memref<40x64xi32, #tpu.memory_space<hbm>>) target(%arg14 : memref<40x64xi32, #tpu.memory_space<vmem>>) target_semaphore(%arg20 : memref<!tpu.dma_semaphore, #tpu.memory_space<semaphore_mem>>)
    %barrier3A = arith.constant 0 : index
    tpu.barrier barrier_id(%barrier3A)
    %scan3A = arith.constant 0 : i32
    %scan3A_45 = arith.constant 0 : i32
    %scan3A_46 = arith.constant 125 : i32
    %scan3A_47 = arith.addi %scan3A_45, %scan3A_46 : i32
    %scan3A_48 = arith.constant 1 : i32
    %scan3A_49 = scf.for %scan3A_57 = %scan3A_45 to %scan3A_47 step %scan3A_48 iter_args(%scan3A_58 = %scan3A) -> (i32)  : i32 {
      %mul3A_59 = arith.constant 2 : i32
      %mul3A_60 = arith.muli %mul3A_59, %scan3A_57 : i32
      %add3A_61 = arith.constant 0 : i32
      %add3A_62 = arith.addi %mul3A_60, %add3A_61 : i32
      %dma_wait3A_63 = arith.constant 0 : i32
      %dma_wait3A_64 = arith.constant 0 : i32
      %dma_wait3A_65 = tpu.memref_slice %arg2[%dma_wait3A_63, %dma_wait3A_64] : memref<10000x128xf32, #tpu.memory_space<hbm>> -> memref<10000x128xf32, #tpu.memory_space<hbm>>
      tpu.wait_indirect_dma semaphore(%arg17 : memref<!tpu.dma_semaphore, #tpu.memory_space<semaphore_mem>>) src(%dma_wait3A_65 : memref<10000x128xf32, #tpu.memory_space<hbm>>) dst(%arg11 : memref<40x128xf32, #tpu.memory_space<vmem>>)
      %mul3A_66 = arith.constant 40 : i32
      %mul3A_67 = arith.muli %add3A_62, %mul3A_66 : i32
      %add3A_68 = arith.addi %mul3A_2, %mul3A_67 : i32
      %dma_wait3A_69 = arith.constant 0 : i32
      %dma_wait3A_70 = tpu.memref_slice %arg5[%add3A_68, %dma_wait3A_69] : memref<320000x64xi32, #tpu.memory_space<hbm>> -> memref<40x64xi32, #tpu.memory_space<hbm>>
      %dma_wait3A_71 = arith.constant 0 : i32
      %dma_wait3A_72 = tpu.memref_slice %arg5[%add3A_68, %dma_wait3A_71] : memref<320000x64xi32, #tpu.memory_space<hbm>> -> memref<40x64xi32, #tpu.memory_space<hbm>>
      tpu.wait_dma2 semaphore(%arg19 : memref<!tpu.dma_semaphore, #tpu.memory_space<semaphore_mem>>) src(%dma_wait3A_72 : memref<40x64xi32, #tpu.memory_space<hbm>>) dst(%arg13 : memref<40x64xi32, #tpu.memory_space<vmem>>)
      %add3A_73 = arith.constant 2 : i32
      %add3A_74 = arith.addi %add3A_62, %add3A_73 : i32
      %lt3A_75 = arith.constant 250 : i32
      %lt3A_76 = arith.cmpi slt, %add3A_74, %lt3A_75 : i32
      %convert_element_type3A_77 = arith.extui %lt3A_76 : i1 to i32
      %cond3A_78 = arith.constant 0 : i32
      %cond3A_79 = arith.cmpi ne, %convert_element_type3A_77, %cond3A_78 : i32
      scf.if %cond3A_79 {
        %add3A_131 = arith.constant 2 : i32
        %add3A_132 = arith.addi %add3A_62, %add3A_131 : i32
        %mul3A_133 = arith.constant 40 : i32
        %mul3A_134 = arith.muli %add3A_132, %mul3A_133 : i32
        %add3A_135 = arith.addi %mul3A_2, %mul3A_134 : i32
        %dma_start3A_136 = tpu.memref_slice %arg3[%add3A_135] : memref<320000xi32, #tpu.memory_space<hbm>> -> memref<40xi32, #tpu.memory_space<hbm>>
        %dma_start3A_137 = tpu.memref_slice %arg3[%add3A_135] : memref<320000xi32, #tpu.memory_space<hbm>> -> memref<40xi32, #tpu.memory_space<hbm>>
        tpu.enqueue_dma source(%dma_start3A_137 : memref<40xi32, #tpu.memory_space<hbm>>) target(%arg7 : memref<40xi32, #tpu.memory_space<vmem>>) target_semaphore(%arg21 : memref<!tpu.dma_semaphore, #tpu.memory_space<semaphore_mem>>)
      } else {
      }
      %parallel_loop3A = arith.constant 0 : i32
      %parallel_loop3A_80 = arith.constant 160 : i32
      %parallel_loop3A_81 = arith.constant 1 : i32
      scf.for %parallel_loop3A_131 = %parallel_loop3A to %parallel_loop3A_80 step %parallel_loop3A_81  : i32 {
        %parallel_loop3A_132 = arith.constant 4 : i32
        %parallel_loop3A_133 = arith.divsi %parallel_loop3A_131, %parallel_loop3A_132 : i32
        %parallel_loop3A_134 = arith.constant 0 : i32
        %parallel_loop3A_135 = arith.cmpi sgt, %parallel_loop3A_131, %parallel_loop3A_134 : i32
        %parallel_loop3A_136 = arith.extui %parallel_loop3A_135 : i1 to i32
        %parallel_loop3A_137 = arith.constant 0 : i32
        %parallel_loop3A_138 = arith.cmpi slt, %parallel_loop3A_131, %parallel_loop3A_137 : i32
        %parallel_loop3A_139 = arith.extui %parallel_loop3A_138 : i1 to i32
        %parallel_loop3A_140 = arith.subi %parallel_loop3A_136, %parallel_loop3A_139 : i32
        %parallel_loop3A_141 = arith.constant 0 : i32
        %parallel_loop3A_142 = arith.cmpi sgt, %parallel_loop3A_132, %parallel_loop3A_141 : i32
        %parallel_loop3A_143 = arith.extui %parallel_loop3A_142 : i1 to i32
        %parallel_loop3A_144 = arith.constant 0 : i32
        %parallel_loop3A_145 = arith.cmpi slt, %parallel_loop3A_132, %parallel_loop3A_144 : i32
        %parallel_loop3A_146 = arith.extui %parallel_loop3A_145 : i1 to i32
        %parallel_loop3A_147 = arith.subi %parallel_loop3A_143, %parallel_loop3A_146 : i32
        %parallel_loop3A_148 = arith.cmpi ne, %parallel_loop3A_140, %parallel_loop3A_147 : i32
        %parallel_loop3A_149 = arith.remsi %parallel_loop3A_131, %parallel_loop3A_132 : i32
        %parallel_loop3A_150 = arith.constant 0 : i32
        %parallel_loop3A_151 = arith.cmpi ne, %parallel_loop3A_149, %parallel_loop3A_150 : i32
        %parallel_loop3A_152 = arith.andi %parallel_loop3A_148, %parallel_loop3A_151 : i1
        %parallel_loop3A_153 = arith.constant 1 : i32
        %parallel_loop3A_154 = arith.subi %parallel_loop3A_133, %parallel_loop3A_153 : i32
        %parallel_loop3A_155 = arith.select %parallel_loop3A_152, %parallel_loop3A_154, %parallel_loop3A_133 : i32
        %parallel_loop3A_156 = arith.constant 4 : i32
        %parallel_loop3A_157 = arith.constant 0 : i32
        %parallel_loop3A_158 = arith.cmpi eq, %parallel_loop3A_156, %parallel_loop3A_157 : i32
        %parallel_loop3A_159 = arith.constant 1 : i32
        %parallel_loop3A_160 = arith.select %parallel_loop3A_158, %parallel_loop3A_159, %parallel_loop3A_156 : i32
        %parallel_loop3A_161 = arith.remsi %parallel_loop3A_131, %parallel_loop3A_160 : i32
        %parallel_loop3A_162 = arith.constant 0 : i32
        %parallel_loop3A_163 = arith.cmpi ne, %parallel_loop3A_161, %parallel_loop3A_162 : i32
        %parallel_loop3A_164 = arith.constant 0 : i32
        %parallel_loop3A_165 = arith.cmpi slt, %parallel_loop3A_161, %parallel_loop3A_164 : i32
        %parallel_loop3A_166 = arith.constant 0 : i32
        %parallel_loop3A_167 = arith.cmpi slt, %parallel_loop3A_160, %parallel_loop3A_166 : i32
        %parallel_loop3A_168 = arith.xori %parallel_loop3A_165, %parallel_loop3A_167 : i1
        %parallel_loop3A_169 = arith.andi %parallel_loop3A_168, %parallel_loop3A_163 : i1
        %parallel_loop3A_170 = arith.addi %parallel_loop3A_161, %parallel_loop3A_160 : i32
        %parallel_loop3A_171 = arith.select %parallel_loop3A_169, %parallel_loop3A_170, %parallel_loop3A_161 : i32
        %parallel_loop3A_172 = arith.constant 16 : i32
        %parallel_loop3A_173 = arith.muli %parallel_loop3A_171, %parallel_loop3A_172 : i32
        %parallel_loop3A_174 = arith.index_cast %parallel_loop3A_155 : i32 to index
        %parallel_loop3A_175 = arith.index_cast %parallel_loop3A_173 : i32 to index
        %parallel_loop3A_176 = tpu.vector_load %arg13[%parallel_loop3A_174, %parallel_loop3A_175] {strides = array<i32>} : memref<40x64xi32, #tpu.memory_space<vmem>>, vector<1x16xi32>,
        %parallel_loop3A_177 = vector.shape_cast %parallel_loop3A_176 : vector<1x16xi32> to vector<16xi32>
        %parallel_loop3A_178 = arith.constant 16 : i32
        %parallel_loop3A_179 = vector.broadcast %parallel_loop3A_178 : i32 to vector<16xi32>
        %parallel_loop3A_180 = arith.shli %parallel_loop3A_177, %parallel_loop3A_179 : vector<16xi32>
        %parallel_loop3A_181 = tpu.bitcast %parallel_loop3A_180 : vector<16xi32> -> vector<16xf32>
        %parallel_loop3A_182 = arith.constant -65536 : i32
        %parallel_loop3A_183 = vector.broadcast %parallel_loop3A_182 : i32 to vector<16xi32>
        %parallel_loop3A_184 = arith.andi %parallel_loop3A_177, %parallel_loop3A_183 : vector<16xi32>
        %parallel_loop3A_185 = tpu.bitcast %parallel_loop3A_184 : vector<16xi32> -> vector<16xf32>
        %parallel_loop3A_186 = arith.constant 16 : i32
        %parallel_loop3A_187 = arith.muli %parallel_loop3A_171, %parallel_loop3A_186 : i32
        %parallel_loop3A_188 = arith.constant 16 : i32
        %parallel_loop3A_189 = arith.muli %parallel_loop3A_171, %parallel_loop3A_188 : i32
        %parallel_loop3A_190 = arith.constant 64 : i32
        %parallel_loop3A_191 = arith.addi %parallel_loop3A_190, %parallel_loop3A_189 : i32
        %parallel_loop3A_192 = arith.index_cast %parallel_loop3A_155 : i32 to index
        %parallel_loop3A_193 = arith.index_cast %parallel_loop3A_187 : i32 to index
        %parallel_loop3A_194 = tpu.vector_load %arg11[%parallel_loop3A_192, %parallel_loop3A_193] {strides = array<i32>} : memref<40x128xf32, #tpu.memory_space<vmem>>, vector<1x16xf32>,
        %parallel_loop3A_195 = vector.shape_cast %parallel_loop3A_194 : vector<1x16xf32> to vector<16xf32>
        %parallel_loop3A_196 = arith.addf %parallel_loop3A_195, %parallel_loop3A_181 : vector<16xf32>
        %parallel_loop3A_197 = arith.constant 0.000000e+00 : f32
        %parallel_loop3A_198 = vector.broadcast %parallel_loop3A_197 : f32 to vector<16xf32>
        %parallel_loop3A_199 = arith.maximumf %parallel_loop3A_196, %parallel_loop3A_198 : vector<16xf32>
        %parallel_loop3A_200 = arith.index_cast %parallel_loop3A_155 : i32 to index
        %parallel_loop3A_201 = arith.index_cast %parallel_loop3A_187 : i32 to index
        %parallel_loop3A_202 = tpu.vector_load %arg11[%parallel_loop3A_200, %parallel_loop3A_201] {strides = array<i32>} : memref<40x128xf32, #tpu.memory_space<vmem>>, vector<1x16xf32>,
        %parallel_loop3A_203 = vector.shape_cast %parallel_loop3A_202 : vector<1x16xf32> to vector<16xf32>
        %parallel_loop3A_204 = vector.shape_cast %parallel_loop3A_199 : vector<16xf32> to vector<1x16xf32>
        tpu.vector_store %arg11[%parallel_loop3A_200, %parallel_loop3A_201], %parallel_loop3A_204 {strides = array<i32>} : memref<40x128xf32, #tpu.memory_space<vmem>>, vector<1x16xf32>,
        %parallel_loop3A_205 = arith.index_cast %parallel_loop3A_155 : i32 to index
        %parallel_loop3A_206 = arith.index_cast %parallel_loop3A_191 : i32 to index
        %parallel_loop3A_207 = tpu.vector_load %arg11[%parallel_loop3A_205, %parallel_loop3A_206] {strides = array<i32>} : memref<40x128xf32, #tpu.memory_space<vmem>>, vector<1x16xf32>,
        %parallel_loop3A_208 = vector.shape_cast %parallel_loop3A_207 : vector<1x16xf32> to vector<16xf32>
        %parallel_loop3A_209 = arith.addf %parallel_loop3A_208, %parallel_loop3A_185 : vector<16xf32>
        %parallel_loop3A_210 = arith.constant 0.000000e+00 : f32
        %parallel_loop3A_211 = vector.broadcast %parallel_loop3A_210 : f32 to vector<16xf32>
        %parallel_loop3A_212 = arith.maximumf %parallel_loop3A_209, %parallel_loop3A_211 : vector<16xf32>
        %parallel_loop3A_213 = arith.index_cast %parallel_loop3A_155 : i32 to index
        %parallel_loop3A_214 = arith.index_cast %parallel_loop3A_191 : i32 to index
        %parallel_loop3A_215 = tpu.vector_load %arg11[%parallel_loop3A_213, %parallel_loop3A_214] {strides = array<i32>} : memref<40x128xf32, #tpu.memory_space<vmem>>, vector<1x16xf32>,
        %parallel_loop3A_216 = vector.shape_cast %parallel_loop3A_215 : vector<1x16xf32> to vector<16xf32>
        %parallel_loop3A_217 = vector.shape_cast %parallel_loop3A_212 : vector<16xf32> to vector<1x16xf32>
        tpu.vector_store %arg11[%parallel_loop3A_213, %parallel_loop3A_214], %parallel_loop3A_217 {strides = array<i32>} : memref<40x128xf32, #tpu.memory_space<vmem>>, vector<1x16xf32>,
      } {sc.loop_unroll_factor = 4 : i64, sc.parallel_access}
      %mul3A_82 = arith.constant 40 : i32
      %mul3A_83 = arith.muli %add3A_62, %mul3A_82 : i32
      %add3A_84 = arith.addi %mul3A_2, %mul3A_83 : i32
      %dma_wait3A_85 = tpu.memref_slice %arg4[%add3A_84] : memref<320000xi32, #tpu.memory_space<hbm>> -> memref<40xi32, #tpu.memory_space<hbm>>
      %dma_wait3A_86 = tpu.memref_slice %arg4[%add3A_84] : memref<320000xi32, #tpu.memory_space<hbm>> -> memref<40xi32, #tpu.memory_space<hbm>>
      tpu.wait_dma2 semaphore(%arg23 : memref<!tpu.dma_semaphore, #tpu.memory_space<semaphore_mem>>) src(%dma_wait3A_86 : memref<40xi32, #tpu.memory_space<hbm>>) dst(%arg9 : memref<40xi32, #tpu.memory_space<vmem>>)
      "tpu.region"() ({
        %run_scoped3A = tpu.sem_alloc : memref<!tpu.dma_semaphore, #tpu.memory_space<semaphore_mem>>
        %dma_start3A_131 = arith.constant 0 : i32
        %dma_start3A_132 = arith.constant 0 : i32
        %dma_start3A_133 = tpu.memref_slice %arg16[%dma_start3A_131, %dma_start3A_132] : memref<10000x128xf32, #tpu.memory_space<vmem_shared>> -> memref<10000x128xf32, #tpu.memory_space<vmem_shared>>
        tpu.enqueue_indirect_dma source(%arg11 : memref<40x128xf32, #tpu.memory_space<vmem>>) target(%dma_start3A_133 : memref<10000x128xf32, #tpu.memory_space<vmem_shared>>) offsets(%arg9 : memref<40xi32, #tpu.memory_space<vmem>>) semaphore(%run_scoped3A : memref<!tpu.dma_semaphore, #tpu.memory_space<semaphore_mem>>) {add = true}
        %dma_wait3A_134 = arith.constant 0 : i32
        %dma_wait3A_135 = arith.constant 0 : i32
        %dma_wait3A_136 = tpu.memref_slice %arg16[%dma_wait3A_134, %dma_wait3A_135] : memref<10000x128xf32, #tpu.memory_space<vmem_shared>> -> memref<10000x128xf32, #tpu.memory_space<vmem_shared>>
        tpu.wait_indirect_dma semaphore(%run_scoped3A : memref<!tpu.dma_semaphore, #tpu.memory_space<semaphore_mem>>) src(%arg11 : memref<40x128xf32, #tpu.memory_space<vmem>>) dst(%dma_wait3A_136 : memref<10000x128xf32, #tpu.memory_space<vmem_shared>>)
        tpu.yield
      }) : () -> ()
      %add3A_87 = arith.constant 2 : i32
      %add3A_88 = arith.addi %add3A_62, %add3A_87 : i32
      %lt3A_89 = arith.constant 250 : i32
      %lt3A_90 = arith.cmpi slt, %add3A_88, %lt3A_89 : i32
      %convert_element_type3A_91 = arith.extui %lt3A_90 : i1 to i32
      %cond3A_92 = arith.constant 0 : i32
      %cond3A_93 = arith.cmpi ne, %convert_element_type3A_91, %cond3A_92 : i32
      scf.if %cond3A_93 {
        %add3A_131 = arith.constant 2 : i32
        %add3A_132 = arith.addi %add3A_62, %add3A_131 : i32
        %mul3A_133 = arith.constant 40 : i32
        %mul3A_134 = arith.muli %add3A_132, %mul3A_133 : i32
        %add3A_135 = arith.addi %mul3A_2, %mul3A_134 : i32
        %dma_start3A_136 = tpu.memref_slice %arg4[%add3A_135] : memref<320000xi32, #tpu.memory_space<hbm>> -> memref<40xi32, #tpu.memory_space<hbm>>
        %dma_start3A_137 = tpu.memref_slice %arg4[%add3A_135] : memref<320000xi32, #tpu.memory_space<hbm>> -> memref<40xi32, #tpu.memory_space<hbm>>
        tpu.enqueue_dma source(%dma_start3A_137 : memref<40xi32, #tpu.memory_space<hbm>>) target(%arg9 : memref<40xi32, #tpu.memory_space<vmem>>) target_semaphore(%arg23 : memref<!tpu.dma_semaphore, #tpu.memory_space<semaphore_mem>>)
        %add3A_138 = arith.constant 2 : i32
        %add3A_139 = arith.addi %add3A_62, %add3A_138 : i32
        %mul3A_140 = arith.constant 40 : i32
        %mul3A_141 = arith.muli %add3A_139, %mul3A_140 : i32
        %add3A_142 = arith.addi %mul3A_2, %mul3A_141 : i32
        %dma_wait3A_143 = tpu.memref_slice %arg3[%add3A_142] : memref<320000xi32, #tpu.memory_space<hbm>> -> memref<40xi32, #tpu.memory_space<hbm>>
        %dma_wait3A_144 = tpu.memref_slice %arg3[%add3A_142] : memref<320000xi32, #tpu.memory_space<hbm>> -> memref<40xi32, #tpu.memory_space<hbm>>
        tpu.wait_dma2 semaphore(%arg21 : memref<!tpu.dma_semaphore, #tpu.memory_space<semaphore_mem>>) src(%dma_wait3A_144 : memref<40xi32, #tpu.memory_space<hbm>>) dst(%arg7 : memref<40xi32, #tpu.memory_space<vmem>>)
        %add3A_145 = arith.constant 2 : i32
        %add3A_146 = arith.addi %add3A_62, %add3A_145 : i32
        %dma_start3A_147 = arith.constant 0 : i32
        %dma_start3A_148 = arith.constant 0 : i32
        %dma_start3A_149 = tpu.memref_slice %arg2[%dma_start3A_147, %dma_start3A_148] : memref<10000x128xf32, #tpu.memory_space<hbm>> -> memref<10000x128xf32, #tpu.memory_space<hbm>>
        tpu.enqueue_indirect_dma source(%dma_start3A_149 : memref<10000x128xf32, #tpu.memory_space<hbm>>) target(%arg11 : memref<40x128xf32, #tpu.memory_space<vmem>>) offsets(%arg7 : memref<40xi32, #tpu.memory_space<vmem>>) semaphore(%arg17 : memref<!tpu.dma_semaphore, #tpu.memory_space<semaphore_mem>>)
        %mul3A_150 = arith.constant 40 : i32
        %mul3A_151 = arith.muli %add3A_146, %mul3A_150 : i32
        %add3A_152 = arith.addi %mul3A_2, %mul3A_151 : i32
        %dma_start3A_153 = arith.constant 0 : i32
        %dma_start3A_154 = tpu.memref_slice %arg5[%add3A_152, %dma_start3A_153] : memref<320000x64xi32, #tpu.memory_space<hbm>> -> memref<40x64xi32, #tpu.memory_space<hbm>>
        %dma_start3A_155 = arith.constant 0 : i32
        %dma_start3A_156 = tpu.memref_slice %arg5[%add3A_152, %dma_start3A_155] : memref<320000x64xi32, #tpu.memory_space<hbm>> -> memref<40x64xi32, #tpu.memory_space<hbm>>
        tpu.enqueue_dma source(%dma_start3A_156 : memref<40x64xi32, #tpu.memory_space<hbm>>) target(%arg13 : memref<40x64xi32, #tpu.memory_space<vmem>>) target_semaphore(%arg19 : memref<!tpu.dma_semaphore, #tpu.memory_space<semaphore_mem>>)
      } else {
      }
      %mul3A_94 = arith.constant 2 : i32
      %mul3A_95 = arith.muli %mul3A_94, %scan3A_57 : i32
      %add3A_96 = arith.constant 1 : i32
      %add3A_97 = arith.addi %mul3A_95, %add3A_96 : i32
      %dma_wait3A_98 = arith.constant 0 : i32
      %dma_wait3A_99 = arith.constant 0 : i32
      %dma_wait3A_100 = tpu.memref_slice %arg2[%dma_wait3A_98, %dma_wait3A_99] : memref<10000x128xf32, #tpu.memory_space<hbm>> -> memref<10000x128xf32, #tpu.memory_space<hbm>>
      tpu.wait_indirect_dma semaphore(%arg18 : memref<!tpu.dma_semaphore, #tpu.memory_space<semaphore_mem>>) src(%dma_wait3A_100 : memref<10000x128xf32, #tpu.memory_space<hbm>>) dst(%arg12 : memref<40x128xf32, #tpu.memory_space<vmem>>)
      %mul3A_101 = arith.constant 40 : i32
      %mul3A_102 = arith.muli %add3A_97, %mul3A_101 : i32
      %add3A_103 = arith.addi %mul3A_2, %mul3A_102 : i32
      %dma_wait3A_104 = arith.constant 0 : i32
      %dma_wait3A_105 = tpu.memref_slice %arg5[%add3A_103, %dma_wait3A_104] : memref<320000x64xi32, #tpu.memory_space<hbm>> -> memref<40x64xi32, #tpu.memory_space<hbm>>
      %dma_wait3A_106 = arith.constant 0 : i32
      %dma_wait3A_107 = tpu.memref_slice %arg5[%add3A_103, %dma_wait3A_106] : memref<320000x64xi32, #tpu.memory_space<hbm>> -> memref<40x64xi32, #tpu.memory_space<hbm>>
      tpu.wait_dma2 semaphore(%arg20 : memref<!tpu.dma_semaphore, #tpu.memory_space<semaphore_mem>>) src(%dma_wait3A_107 : memref<40x64xi32, #tpu.memory_space<hbm>>) dst(%arg14 : memref<40x64xi32, #tpu.memory_space<vmem>>)
      %add3A_108 = arith.constant 2 : i32
      %add3A_109 = arith.addi %add3A_97, %add3A_108 : i32
      %lt3A_110 = arith.constant 250 : i32
      %lt3A_111 = arith.cmpi slt, %add3A_109, %lt3A_110 : i32
      %convert_element_type3A_112 = arith.extui %lt3A_111 : i1 to i32
      %cond3A_113 = arith.constant 0 : i32
      %cond3A_114 = arith.cmpi ne, %convert_element_type3A_112, %cond3A_113 : i32
      scf.if %cond3A_114 {
        %add3A_131 = arith.constant 2 : i32
        %add3A_132 = arith.addi %add3A_97, %add3A_131 : i32
        %mul3A_133 = arith.constant 40 : i32
        %mul3A_134 = arith.muli %add3A_132, %mul3A_133 : i32
        %add3A_135 = arith.addi %mul3A_2, %mul3A_134 : i32
        %dma_start3A_136 = tpu.memref_slice %arg3[%add3A_135] : memref<320000xi32, #tpu.memory_space<hbm>> -> memref<40xi32, #tpu.memory_space<hbm>>
        %dma_start3A_137 = tpu.memref_slice %arg3[%add3A_135] : memref<320000xi32, #tpu.memory_space<hbm>> -> memref<40xi32, #tpu.memory_space<hbm>>
        tpu.enqueue_dma source(%dma_start3A_137 : memref<40xi32, #tpu.memory_space<hbm>>) target(%arg8 : memref<40xi32, #tpu.memory_space<vmem>>) target_semaphore(%arg22 : memref<!tpu.dma_semaphore, #tpu.memory_space<semaphore_mem>>)
      } else {
      }
      %parallel_loop3A_115 = arith.constant 0 : i32
      %parallel_loop3A_116 = arith.constant 160 : i32
      %parallel_loop3A_117 = arith.constant 1 : i32
      scf.for %parallel_loop3A_131 = %parallel_loop3A_115 to %parallel_loop3A_116 step %parallel_loop3A_117  : i32 {
        %parallel_loop3A_132 = arith.constant 4 : i32
        %parallel_loop3A_133 = arith.divsi %parallel_loop3A_131, %parallel_loop3A_132 : i32
        %parallel_loop3A_134 = arith.constant 0 : i32
        %parallel_loop3A_135 = arith.cmpi sgt, %parallel_loop3A_131, %parallel_loop3A_134 : i32
        %parallel_loop3A_136 = arith.extui %parallel_loop3A_135 : i1 to i32
        %parallel_loop3A_137 = arith.constant 0 : i32
        %parallel_loop3A_138 = arith.cmpi slt, %parallel_loop3A_131, %parallel_loop3A_137 : i32
        %parallel_loop3A_139 = arith.extui %parallel_loop3A_138 : i1 to i32
        %parallel_loop3A_140 = arith.subi %parallel_loop3A_136, %parallel_loop3A_139 : i32
        %parallel_loop3A_141 = arith.constant 0 : i32
        %parallel_loop3A_142 = arith.cmpi sgt, %parallel_loop3A_132, %parallel_loop3A_141 : i32
        %parallel_loop3A_143 = arith.extui %parallel_loop3A_142 : i1 to i32
        %parallel_loop3A_144 = arith.constant 0 : i32
        %parallel_loop3A_145 = arith.cmpi slt, %parallel_loop3A_132, %parallel_loop3A_144 : i32
        %parallel_loop3A_146 = arith.extui %parallel_loop3A_145 : i1 to i32
        %parallel_loop3A_147 = arith.subi %parallel_loop3A_143, %parallel_loop3A_146 : i32
        %parallel_loop3A_148 = arith.cmpi ne, %parallel_loop3A_140, %parallel_loop3A_147 : i32
        %parallel_loop3A_149 = arith.remsi %parallel_loop3A_131, %parallel_loop3A_132 : i32
        %parallel_loop3A_150 = arith.constant 0 : i32
        %parallel_loop3A_151 = arith.cmpi ne, %parallel_loop3A_149, %parallel_loop3A_150 : i32
        %parallel_loop3A_152 = arith.andi %parallel_loop3A_148, %parallel_loop3A_151 : i1
        %parallel_loop3A_153 = arith.constant 1 : i32
        %parallel_loop3A_154 = arith.subi %parallel_loop3A_133, %parallel_loop3A_153 : i32
        %parallel_loop3A_155 = arith.select %parallel_loop3A_152, %parallel_loop3A_154, %parallel_loop3A_133 : i32
        %parallel_loop3A_156 = arith.constant 4 : i32
        %parallel_loop3A_157 = arith.constant 0 : i32
        %parallel_loop3A_158 = arith.cmpi eq, %parallel_loop3A_156, %parallel_loop3A_157 : i32
        %parallel_loop3A_159 = arith.constant 1 : i32
        %parallel_loop3A_160 = arith.select %parallel_loop3A_158, %parallel_loop3A_159, %parallel_loop3A_156 : i32
        %parallel_loop3A_161 = arith.remsi %parallel_loop3A_131, %parallel_loop3A_160 : i32
        %parallel_loop3A_162 = arith.constant 0 : i32
        %parallel_loop3A_163 = arith.cmpi ne, %parallel_loop3A_161, %parallel_loop3A_162 : i32
        %parallel_loop3A_164 = arith.constant 0 : i32
        %parallel_loop3A_165 = arith.cmpi slt, %parallel_loop3A_161, %parallel_loop3A_164 : i32
        %parallel_loop3A_166 = arith.constant 0 : i32
        %parallel_loop3A_167 = arith.cmpi slt, %parallel_loop3A_160, %parallel_loop3A_166 : i32
        %parallel_loop3A_168 = arith.xori %parallel_loop3A_165, %parallel_loop3A_167 : i1
        %parallel_loop3A_169 = arith.andi %parallel_loop3A_168, %parallel_loop3A_163 : i1
        %parallel_loop3A_170 = arith.addi %parallel_loop3A_161, %parallel_loop3A_160 : i32
        %parallel_loop3A_171 = arith.select %parallel_loop3A_169, %parallel_loop3A_170, %parallel_loop3A_161 : i32
        %parallel_loop3A_172 = arith.constant 16 : i32
        %parallel_loop3A_173 = arith.muli %parallel_loop3A_171, %parallel_loop3A_172 : i32
        %parallel_loop3A_174 = arith.index_cast %parallel_loop3A_155 : i32 to index
        %parallel_loop3A_175 = arith.index_cast %parallel_loop3A_173 : i32 to index
        %parallel_loop3A_176 = tpu.vector_load %arg14[%parallel_loop3A_174, %parallel_loop3A_175] {strides = array<i32>} : memref<40x64xi32, #tpu.memory_space<vmem>>, vector<1x16xi32>,
        %parallel_loop3A_177 = vector.shape_cast %parallel_loop3A_176 : vector<1x16xi32> to vector<16xi32>
        %parallel_loop3A_178 = arith.constant 16 : i32
        %parallel_loop3A_179 = vector.broadcast %parallel_loop3A_178 : i32 to vector<16xi32>
        %parallel_loop3A_180 = arith.shli %parallel_loop3A_177, %parallel_loop3A_179 : vector<16xi32>
        %parallel_loop3A_181 = tpu.bitcast %parallel_loop3A_180 : vector<16xi32> -> vector<16xf32>
        %parallel_loop3A_182 = arith.constant -65536 : i32
        %parallel_loop3A_183 = vector.broadcast %parallel_loop3A_182 : i32 to vector<16xi32>
        %parallel_loop3A_184 = arith.andi %parallel_loop3A_177, %parallel_loop3A_183 : vector<16xi32>
        %parallel_loop3A_185 = tpu.bitcast %parallel_loop3A_184 : vector<16xi32> -> vector<16xf32>
        %parallel_loop3A_186 = arith.constant 16 : i32
        %parallel_loop3A_187 = arith.muli %parallel_loop3A_171, %parallel_loop3A_186 : i32
        %parallel_loop3A_188 = arith.constant 16 : i32
        %parallel_loop3A_189 = arith.muli %parallel_loop3A_171, %parallel_loop3A_188 : i32
        %parallel_loop3A_190 = arith.constant 64 : i32
        %parallel_loop3A_191 = arith.addi %parallel_loop3A_190, %parallel_loop3A_189 : i32
        %parallel_loop3A_192 = arith.index_cast %parallel_loop3A_155 : i32 to index
        %parallel_loop3A_193 = arith.index_cast %parallel_loop3A_187 : i32 to index
        %parallel_loop3A_194 = tpu.vector_load %arg12[%parallel_loop3A_192, %parallel_loop3A_193] {strides = array<i32>} : memref<40x128xf32, #tpu.memory_space<vmem>>, vector<1x16xf32>,
        %parallel_loop3A_195 = vector.shape_cast %parallel_loop3A_194 : vector<1x16xf32> to vector<16xf32>
        %parallel_loop3A_196 = arith.addf %parallel_loop3A_195, %parallel_loop3A_181 : vector<16xf32>
        %parallel_loop3A_197 = arith.constant 0.000000e+00 : f32
        %parallel_loop3A_198 = vector.broadcast %parallel_loop3A_197 : f32 to vector<16xf32>
        %parallel_loop3A_199 = arith.maximumf %parallel_loop3A_196, %parallel_loop3A_198 : vector<16xf32>
        %parallel_loop3A_200 = arith.index_cast %parallel_loop3A_155 : i32 to index
        %parallel_loop3A_201 = arith.index_cast %parallel_loop3A_187 : i32 to index
        %parallel_loop3A_202 = tpu.vector_load %arg12[%parallel_loop3A_200, %parallel_loop3A_201] {strides = array<i32>} : memref<40x128xf32, #tpu.memory_space<vmem>>, vector<1x16xf32>,
        %parallel_loop3A_203 = vector.shape_cast %parallel_loop3A_202 : vector<1x16xf32> to vector<16xf32>
        %parallel_loop3A_204 = vector.shape_cast %parallel_loop3A_199 : vector<16xf32> to vector<1x16xf32>
        tpu.vector_store %arg12[%parallel_loop3A_200, %parallel_loop3A_201], %parallel_loop3A_204 {strides = array<i32>} : memref<40x128xf32, #tpu.memory_space<vmem>>, vector<1x16xf32>,
        %parallel_loop3A_205 = arith.index_cast %parallel_loop3A_155 : i32 to index
        %parallel_loop3A_206 = arith.index_cast %parallel_loop3A_191 : i32 to index
        %parallel_loop3A_207 = tpu.vector_load %arg12[%parallel_loop3A_205, %parallel_loop3A_206] {strides = array<i32>} : memref<40x128xf32, #tpu.memory_space<vmem>>, vector<1x16xf32>,
        %parallel_loop3A_208 = vector.shape_cast %parallel_loop3A_207 : vector<1x16xf32> to vector<16xf32>
        %parallel_loop3A_209 = arith.addf %parallel_loop3A_208, %parallel_loop3A_185 : vector<16xf32>
        %parallel_loop3A_210 = arith.constant 0.000000e+00 : f32
        %parallel_loop3A_211 = vector.broadcast %parallel_loop3A_210 : f32 to vector<16xf32>
        %parallel_loop3A_212 = arith.maximumf %parallel_loop3A_209, %parallel_loop3A_211 : vector<16xf32>
        %parallel_loop3A_213 = arith.index_cast %parallel_loop3A_155 : i32 to index
        %parallel_loop3A_214 = arith.index_cast %parallel_loop3A_191 : i32 to index
        %parallel_loop3A_215 = tpu.vector_load %arg12[%parallel_loop3A_213, %parallel_loop3A_214] {strides = array<i32>} : memref<40x128xf32, #tpu.memory_space<vmem>>, vector<1x16xf32>,
        %parallel_loop3A_216 = vector.shape_cast %parallel_loop3A_215 : vector<1x16xf32> to vector<16xf32>
        %parallel_loop3A_217 = vector.shape_cast %parallel_loop3A_212 : vector<16xf32> to vector<1x16xf32>
        tpu.vector_store %arg12[%parallel_loop3A_213, %parallel_loop3A_214], %parallel_loop3A_217 {strides = array<i32>} : memref<40x128xf32, #tpu.memory_space<vmem>>, vector<1x16xf32>,
      } {sc.loop_unroll_factor = 4 : i64, sc.parallel_access}
      %mul3A_118 = arith.constant 40 : i32
      %mul3A_119 = arith.muli %add3A_97, %mul3A_118 : i32
      %add3A_120 = arith.addi %mul3A_2, %mul3A_119 : i32
      %dma_wait3A_121 = tpu.memref_slice %arg4[%add3A_120] : memref<320000xi32, #tpu.memory_space<hbm>> -> memref<40xi32, #tpu.memory_space<hbm>>
      %dma_wait3A_122 = tpu.memref_slice %arg4[%add3A_120] : memref<320000xi32, #tpu.memory_space<hbm>> -> memref<40xi32, #tpu.memory_space<hbm>>
      tpu.wait_dma2 semaphore(%arg24 : memref<!tpu.dma_semaphore, #tpu.memory_space<semaphore_mem>>) src(%dma_wait3A_122 : memref<40xi32, #tpu.memory_space<hbm>>) dst(%arg10 : memref<40xi32, #tpu.memory_space<vmem>>)
      "tpu.region"() ({
        %run_scoped3A = tpu.sem_alloc : memref<!tpu.dma_semaphore, #tpu.memory_space<semaphore_mem>>
        %dma_start3A_131 = arith.constant 0 : i32
        %dma_start3A_132 = arith.constant 0 : i32
        %dma_start3A_133 = tpu.memref_slice %arg16[%dma_start3A_131, %dma_start3A_132] : memref<10000x128xf32, #tpu.memory_space<vmem_shared>> -> memref<10000x128xf32, #tpu.memory_space<vmem_shared>>
        tpu.enqueue_indirect_dma source(%arg12 : memref<40x128xf32, #tpu.memory_space<vmem>>) target(%dma_start3A_133 : memref<10000x128xf32, #tpu.memory_space<vmem_shared>>) offsets(%arg10 : memref<40xi32, #tpu.memory_space<vmem>>) semaphore(%run_scoped3A : memref<!tpu.dma_semaphore, #tpu.memory_space<semaphore_mem>>) {add = true}
        %dma_wait3A_134 = arith.constant 0 : i32
        %dma_wait3A_135 = arith.constant 0 : i32
        %dma_wait3A_136 = tpu.memref_slice %arg16[%dma_wait3A_134, %dma_wait3A_135] : memref<10000x128xf32, #tpu.memory_space<vmem_shared>> -> memref<10000x128xf32, #tpu.memory_space<vmem_shared>>
        tpu.wait_indirect_dma semaphore(%run_scoped3A : memref<!tpu.dma_semaphore, #tpu.memory_space<semaphore_mem>>) src(%arg12 : memref<40x128xf32, #tpu.memory_space<vmem>>) dst(%dma_wait3A_136 : memref<10000x128xf32, #tpu.memory_space<vmem_shared>>)
        tpu.yield
      }) : () -> ()
      %add3A_123 = arith.constant 2 : i32
      %add3A_124 = arith.addi %add3A_97, %add3A_123 : i32
      %lt3A_125 = arith.constant 250 : i32
      %lt3A_126 = arith.cmpi slt, %add3A_124, %lt3A_125 : i32
      %convert_element_type3A_127 = arith.extui %lt3A_126 : i1 to i32
      %cond3A_128 = arith.constant 0 : i32
      %cond3A_129 = arith.cmpi ne, %convert_element_type3A_127, %cond3A_128 : i32
      scf.if %cond3A_129 {
        %add3A_131 = arith.constant 2 : i32
        %add3A_132 = arith.addi %add3A_97, %add3A_131 : i32
        %mul3A_133 = arith.constant 40 : i32
        %mul3A_134 = arith.muli %add3A_132, %mul3A_133 : i32
        %add3A_135 = arith.addi %mul3A_2, %mul3A_134 : i32
        %dma_start3A_136 = tpu.memref_slice %arg4[%add3A_135] : memref<320000xi32, #tpu.memory_space<hbm>> -> memref<40xi32, #tpu.memory_space<hbm>>
        %dma_start3A_137 = tpu.memref_slice %arg4[%add3A_135] : memref<320000xi32, #tpu.memory_space<hbm>> -> memref<40xi32, #tpu.memory_space<hbm>>
        tpu.enqueue_dma source(%dma_start3A_137 : memref<40xi32, #tpu.memory_space<hbm>>) target(%arg10 : memref<40xi32, #tpu.memory_space<vmem>>) target_semaphore(%arg24 : memref<!tpu.dma_semaphore, #tpu.memory_space<semaphore_mem>>)
        %add3A_138 = arith.constant 2 : i32
        %add3A_139 = arith.addi %add3A_97, %add3A_138 : i32
        %mul3A_140 = arith.constant 40 : i32
        %mul3A_141 = arith.muli %add3A_139, %mul3A_140 : i32
        %add3A_142 = arith.addi %mul3A_2, %mul3A_141 : i32
        %dma_wait3A_143 = tpu.memref_slice %arg3[%add3A_142] : memref<320000xi32, #tpu.memory_space<hbm>> -> memref<40xi32, #tpu.memory_space<hbm>>
        %dma_wait3A_144 = tpu.memref_slice %arg3[%add3A_142] : memref<320000xi32, #tpu.memory_space<hbm>> -> memref<40xi32, #tpu.memory_space<hbm>>
        tpu.wait_dma2 semaphore(%arg22 : memref<!tpu.dma_semaphore, #tpu.memory_space<semaphore_mem>>) src(%dma_wait3A_144 : memref<40xi32, #tpu.memory_space<hbm>>) dst(%arg8 : memref<40xi32, #tpu.memory_space<vmem>>)
        %add3A_145 = arith.constant 2 : i32
        %add3A_146 = arith.addi %add3A_97, %add3A_145 : i32
        %dma_start3A_147 = arith.constant 0 : i32
        %dma_start3A_148 = arith.constant 0 : i32
        %dma_start3A_149 = tpu.memref_slice %arg2[%dma_start3A_147, %dma_start3A_148] : memref<10000x128xf32, #tpu.memory_space<hbm>> -> memref<10000x128xf32, #tpu.memory_space<hbm>>
        tpu.enqueue_indirect_dma source(%dma_start3A_149 : memref<10000x128xf32, #tpu.memory_space<hbm>>) target(%arg12 : memref<40x128xf32, #tpu.memory_space<vmem>>) offsets(%arg8 : memref<40xi32, #tpu.memory_space<vmem>>) semaphore(%arg18 : memref<!tpu.dma_semaphore, #tpu.memory_space<semaphore_mem>>)
        %mul3A_150 = arith.constant 40 : i32
        %mul3A_151 = arith.muli %add3A_146, %mul3A_150 : i32
        %add3A_152 = arith.addi %mul3A_2, %mul3A_151 : i32
        %dma_start3A_153 = arith.constant 0 : i32
        %dma_start3A_154 = tpu.memref_slice %arg5[%add3A_152, %dma_start3A_153] : memref<320000x64xi32, #tpu.memory_space<hbm>> -> memref<40x64xi32, #tpu.memory_space<hbm>>
        %dma_start3A_155 = arith.constant 0 : i32
        %dma_start3A_156 = tpu.memref_slice %arg5[%add3A_152, %dma_start3A_155] : memref<320000x64xi32, #tpu.memory_space<hbm>> -> memref<40x64xi32, #tpu.memory_space<hbm>>
        tpu.enqueue_dma source(%dma_start3A_156 : memref<40x64xi32, #tpu.memory_space<hbm>>) target(%arg14 : memref<40x64xi32, #tpu.memory_space<vmem>>) target_semaphore(%arg20 : memref<!tpu.dma_semaphore, #tpu.memory_space<semaphore_mem>>)
      } else {
      }
      %scan3A_130 = arith.constant 0 : i32
      scf.yield %scan3A_130 : i32
    }
    %scan3A_50 = arith.constant 125 : i32
    %barrier3A_51 = arith.constant 0 : index
    tpu.barrier barrier_id(%barrier3A_51)
    %lt3A_52 = arith.constant 10 : i32
    %lt3A_53 = arith.cmpi slt, %arg1, %lt3A_52 : i32
    %convert_element_type3A_54 = arith.extui %lt3A_53 : i1 to i32
    %cond3A_55 = arith.constant 0 : i32
    %cond3A_56 = arith.cmpi ne, %convert_element_type3A_54, %cond3A_55 : i32
    scf.if %cond3A_56 {
      %mul3A_57 = arith.constant 1000 : i32
      %mul3A_58 = arith.muli %arg1, %mul3A_57 : i32
      %mul3A_59 = arith.constant 1000 : i32
      %mul3A_60 = arith.muli %arg1, %mul3A_59 : i32
      "tpu.region"() ({
        %run_scoped3A = tpu.sem_alloc : memref<!tpu.dma_semaphore, #tpu.memory_space<semaphore_mem>>
        %dma_start3A_61 = arith.constant 0 : i32
        %dma_start3A_62 = tpu.memref_slice %arg6[%arg0, %mul3A_60, %dma_start3A_61] : memref<2x10000x128xf32, #tpu.memory_space<hbm>> -> memref<1x1000x128xf32, #tpu.memory_space<hbm>>
        %dma_start3A_63 = tpu.memref_squeeze %dma_start3A_62 : memref<1x1000x128xf32, #tpu.memory_space<hbm>> -> memref<1000x128xf32, #tpu.memory_space<hbm>>
        %dma_start3A_64 = arith.constant 0 : i32
        %dma_start3A_65 = tpu.memref_slice %arg16[%mul3A_58, %dma_start3A_64] : memref<10000x128xf32, #tpu.memory_space<vmem_shared>> -> memref<1000x128xf32, #tpu.memory_space<vmem_shared>>
        tpu.enqueue_dma source(%dma_start3A_65 : memref<1000x128xf32, #tpu.memory_space<vmem_shared>>) target(%dma_start3A_63 : memref<1000x128xf32, #tpu.memory_space<hbm>>) target_semaphore(%run_scoped3A : memref<!tpu.dma_semaphore, #tpu.memory_space<semaphore_mem>>)
        %dma_wait3A_66 = arith.constant 0 : i32
        %dma_wait3A_67 = tpu.memref_slice %arg6[%arg0, %mul3A_60, %dma_wait3A_66] : memref<2x10000x128xf32, #tpu.memory_space<hbm>> -> memref<1x1000x128xf32, #tpu.memory_space<hbm>>
        %dma_wait3A_68 = tpu.memref_squeeze %dma_wait3A_67 : memref<1x1000x128xf32, #tpu.memory_space<hbm>> -> memref<1000x128xf32, #tpu.memory_space<hbm>>
        %dma_wait3A_69 = arith.constant 0 : i32
        %dma_wait3A_70 = tpu.memref_slice %arg16[%mul3A_58, %dma_wait3A_69] : memref<10000x128xf32, #tpu.memory_space<vmem_shared>> -> memref<1000x128xf32, #tpu.memory_space<vmem_shared>>
        tpu.wait_dma2 semaphore(%run_scoped3A : memref<!tpu.dma_semaphore, #tpu.memory_space<semaphore_mem>>) src(%dma_wait3A_70 : memref<1000x128xf32, #tpu.memory_space<vmem_shared>>) dst(%dma_wait3A_68 : memref<1000x128xf32, #tpu.memory_space<hbm>>)
        tpu.yield
      }) : () -> ()
    } else {
    }
    return
  }
}

module attributes {stable_mosaic.version = 14 : i64} {
  func.func @_mm_bias_body(%arg0: memref<10000x128xf32, #tpu.memory_space<vmem>>, %arg1: memref<128x128xf32, #tpu.memory_space<vmem>>, %arg2: memref<1x128xf32, #tpu.memory_space<vmem>>, %arg3: memref<10000x128xf32, #tpu.memory_space<vmem>>) attributes {dimension_semantics = [], scalar_prefetch = 0 : i64, scratch_operands = 0 : i64, tpu.core_type = #tpu.core_type<tc>} {
    %get3A = arith.constant 0 : index
    %get3A_0 = arith.constant 0 : index
    %get3A_1 = vector.load %arg0[%get3A, %get3A_0] : memref<10000x128xf32, #tpu.memory_space<vmem>>, vector<10000x128xf32>
    %get3A_2 = arith.constant 0 : index
    %get3A_3 = arith.constant 0 : index
    %get3A_4 = vector.load %arg1[%get3A_2, %get3A_3] : memref<128x128xf32, #tpu.memory_space<vmem>>, vector<128x128xf32>
    %dot_general3A = arith.constant dense<0.000000e+00> : vector<10000x128xf32>
    %dot_general3A_5 = tpu.matmul %get3A_1, %get3A_4, %dot_general3A {dimension_numbers = #tpu.dot_dimension_numbers<[1], [0], [0], [1], [0, 0, 1, 1], [], []>, transpose_lhs_hint = false} : vector<10000x128xf32>, vector<128x128xf32>, vector<10000x128xf32> -> vector<10000x128xf32>
    %get3A_6 = arith.constant 0 : index
    %get3A_7 = arith.constant 0 : index
    %get3A_8 = vector.load %arg2[%get3A_6, %get3A_7] : memref<1x128xf32, #tpu.memory_space<vmem>>, vector<1x128xf32>
    %add3A = vector.broadcast %get3A_8 : vector<1x128xf32> to vector<10000x128xf32>
    %add3A_9 = arith.addf %dot_general3A_5, %add3A : vector<10000x128xf32>
    %swap3A = arith.constant 0 : index
    %swap3A_10 = arith.constant 0 : index
    %swap3A_11 = vector.load %arg3[%swap3A, %swap3A_10] : memref<10000x128xf32, #tpu.memory_space<vmem>>, vector<10000x128xf32>
    tpu.vector_store %arg3[%swap3A, %swap3A_10], %add3A_9 {strides = array<i32>} : memref<10000x128xf32, #tpu.memory_space<vmem>>, vector<10000x128xf32>,
    return
  }
}

module attributes {stable_mosaic.version = 14 : i64} {
  func.func @_mm_pack_body(%arg0: i32, %arg1: memref<8000x16xf32, #tpu.memory_space<vmem>>, %arg2: memref<16x128xf32, #tpu.memory_space<vmem>>, %arg3: memref<1x128xf32, #tpu.memory_space<vmem>>, %arg4: memref<8000x64xi32, #tpu.memory_space<vmem>>) attributes {dimension_semantics = [#tpu.dimension_semantics<arbitrary>], iteration_bounds = array<i64: 40>, scalar_prefetch = 0 : i64, scratch_operands = 0 : i64, tpu.core_type = #tpu.core_type<tc>, window_params = [{transform_indices = @transform_0, window_bounds = array<i64: 8000, 16>}, {pipeline_mode = #tpu.pipeline_mode<synchronous>, transform_indices = @transform_1, window_bounds = array<i64: 16, 128>}, {pipeline_mode = #tpu.pipeline_mode<synchronous>, transform_indices = @transform_2, window_bounds = array<i64: 1, 128>}, {transform_indices = @transform_3, window_bounds = array<i64: 8000, 64>}]} {
    %get3A = arith.constant 0 : index
    %get3A_0 = arith.constant 0 : index
    %get3A_1 = vector.load %arg1[%get3A, %get3A_0] : memref<8000x16xf32, #tpu.memory_space<vmem>>, vector<8000x16xf32>
    %get3A_2 = arith.constant 0 : index
    %get3A_3 = arith.constant 0 : index
    %get3A_4 = vector.load %arg2[%get3A_2, %get3A_3] : memref<16x128xf32, #tpu.memory_space<vmem>>, vector<16x128xf32>
    %dot_general3A = arith.constant dense<0.000000e+00> : vector<8000x128xf32>
    %dot_general3A_5 = tpu.matmul %get3A_1, %get3A_4, %dot_general3A {dimension_numbers = #tpu.dot_dimension_numbers<[1], [0], [0], [1], [0, 0, 1, 1], [], []>, transpose_lhs_hint = false} : vector<8000x16xf32>, vector<16x128xf32>, vector<8000x128xf32> -> vector<8000x128xf32>
    %get3A_6 = arith.constant 0 : index
    %get3A_7 = arith.constant 0 : index
    %get3A_8 = vector.load %arg3[%get3A_6, %get3A_7] : memref<1x128xf32, #tpu.memory_space<vmem>>, vector<1x128xf32>
    %add3A = vector.broadcast %get3A_8 : vector<1x128xf32> to vector<8000x128xf32>
    %add3A_9 = arith.addf %dot_general3A_5, %add3A : vector<8000x128xf32>
    %convert_element_type3A = arith.truncf %add3A_9 : vector<8000x128xf32> to vector<8000x128xbf16>
    %slice3A = vector.extract_strided_slice %convert_element_type3A {offsets = [0, 0], sizes = [8000, 64], strides = [1, 1]} : vector<8000x128xbf16> to vector<8000x64xbf16>
    %bitcast_convert_type3A = tpu.bitcast %slice3A : vector<8000x64xbf16> -> vector<8000x64xi16>
    %convert_element_type3A_10 = arith.extui %bitcast_convert_type3A : vector<8000x64xi16> to vector<8000x64xi32>
    %slice3A_11 = vector.extract_strided_slice %convert_element_type3A {offsets = [0, 64], sizes = [8000, 64], strides = [1, 1]} : vector<8000x128xbf16> to vector<8000x64xbf16>
    %bitcast_convert_type3A_12 = tpu.bitcast %slice3A_11 : vector<8000x64xbf16> -> vector<8000x64xi16>
    %convert_element_type3A_13 = arith.extui %bitcast_convert_type3A_12 : vector<8000x64xi16> to vector<8000x64xi32>
    %shift_left3A = arith.constant 16 : i32
    %shift_left3A_14 = vector.broadcast %shift_left3A : i32 to vector<8000x64xi32>
    %shift_left3A_15 = arith.shli %convert_element_type3A_13, %shift_left3A_14 : vector<8000x64xi32>
    %or3A = arith.ori %convert_element_type3A_10, %shift_left3A_15 : vector<8000x64xi32>
    %bitcast_convert_type3A_16 = tpu.bitcast %or3A : vector<8000x64xi32> -> vector<8000x64xi32>
    %swap3A = arith.constant 0 : index
    %swap3A_17 = arith.constant 0 : index
    %swap3A_18 = vector.load %arg4[%swap3A, %swap3A_17] : memref<8000x64xi32, #tpu.memory_space<vmem>>, vector<8000x64xi32>
    tpu.vector_store %arg4[%swap3A, %swap3A_17], %bitcast_convert_type3A_16 {strides = array<i32>} : memref<8000x64xi32, #tpu.memory_space<vmem>>, vector<8000x64xi32>,
    return
  }
  func.func @transform_0(%arg0: i32) -> (i32, i32) {
    %c0_i32 = arith.constant 0 : i32
    %c0_i32_0 = arith.constant 0 : i32
    return %arg0, %c0_i32 : i32, i32
  }
  func.func @transform_1(%arg0: i32) -> (i32, i32) {
    %c0_i32 = arith.constant 0 : i32
    %c0_i32_0 = arith.constant 0 : i32
    %c0_i32_1 = arith.constant 0 : i32
    return %c0_i32, %c0_i32_0 : i32, i32
  }
  func.func @transform_2(%arg0: i32) -> (i32, i32) {
    %c0_i32 = arith.constant 0 : i32
    %c0_i32_0 = arith.constant 0 : i32
    %c0_i32_1 = arith.constant 0 : i32
    return %c0_i32, %c0_i32_0 : i32, i32
  }
  func.func @transform_3(%arg0: i32) -> (i32, i32) {
    %c0_i32 = arith.constant 0 : i32
    %c0_i32_0 = arith.constant 0 : i32
    return %arg0, %c0_i32 : i32, i32
  }
}

module attributes {stable_mosaic.version = 14 : i64} {
  func.func @_final_body(%arg0: memref<2x10000x128xf32, #tpu.memory_space<vmem>>, %arg1: memref<10000x128xf32, #tpu.memory_space<vmem>>, %arg2: memref<128x128xf32, #tpu.memory_space<vmem>>, %arg3: memref<128x128xf32, #tpu.memory_space<vmem>>, %arg4: memref<1x128xf32, #tpu.memory_space<vmem>>, %arg5: memref<10000x128xf32, #tpu.memory_space<vmem>>) attributes {dimension_semantics = [], scalar_prefetch = 0 : i64, scratch_operands = 0 : i64, tpu.core_type = #tpu.core_type<tc>} {
    %get3A = arith.constant 0 : index
    %get3A_0 = arith.constant 0 : index
    %get3A_1 = arith.constant 0 : index
    %get3A_2 = vector.load %arg0[%get3A, %get3A_0, %get3A_1] : memref<2x10000x128xf32, #tpu.memory_space<vmem>>, vector<1x10000x128xf32>
    %get3A_3 = vector.shape_cast %get3A_2 : vector<1x10000x128xf32> to vector<10000x128xf32>
    %get3A_4 = arith.constant 1 : index
    %get3A_5 = arith.constant 0 : index
    %get3A_6 = arith.constant 0 : index
    %get3A_7 = vector.load %arg0[%get3A_4, %get3A_5, %get3A_6] : memref<2x10000x128xf32, #tpu.memory_space<vmem>>, vector<1x10000x128xf32>
    %get3A_8 = vector.shape_cast %get3A_7 : vector<1x10000x128xf32> to vector<10000x128xf32>
    %add3A = arith.addf %get3A_3, %get3A_8 : vector<10000x128xf32>
    %get3A_9 = arith.constant 0 : index
    %get3A_10 = arith.constant 0 : index
    %get3A_11 = vector.load %arg2[%get3A_9, %get3A_10] : memref<128x128xf32, #tpu.memory_space<vmem>>, vector<128x128xf32>
    %dot_general3A = arith.constant dense<0.000000e+00> : vector<10000x128xf32>
    %dot_general3A_12 = tpu.matmul %add3A, %get3A_11, %dot_general3A {dimension_numbers = #tpu.dot_dimension_numbers<[1], [0], [0], [1], [0, 0, 1, 1], [], []>, transpose_lhs_hint = false} : vector<10000x128xf32>, vector<128x128xf32>, vector<10000x128xf32> -> vector<10000x128xf32>
    %get3A_13 = arith.constant 0 : index
    %get3A_14 = arith.constant 0 : index
    %get3A_15 = vector.load %arg1[%get3A_13, %get3A_14] : memref<10000x128xf32, #tpu.memory_space<vmem>>, vector<10000x128xf32>
    %get3A_16 = arith.constant 0 : index
    %get3A_17 = arith.constant 0 : index
    %get3A_18 = vector.load %arg3[%get3A_16, %get3A_17] : memref<128x128xf32, #tpu.memory_space<vmem>>, vector<128x128xf32>
    %dot_general3A_19 = arith.constant dense<0.000000e+00> : vector<10000x128xf32>
    %dot_general3A_20 = tpu.matmul %get3A_15, %get3A_18, %dot_general3A_19 {dimension_numbers = #tpu.dot_dimension_numbers<[1], [0], [0], [1], [0, 0, 1, 1], [], []>, transpose_lhs_hint = false} : vector<10000x128xf32>, vector<128x128xf32>, vector<10000x128xf32> -> vector<10000x128xf32>
    %add3A_21 = arith.addf %dot_general3A_12, %dot_general3A_20 : vector<10000x128xf32>
    %get3A_22 = arith.constant 0 : index
    %get3A_23 = arith.constant 0 : index
    %get3A_24 = vector.load %arg4[%get3A_22, %get3A_23] : memref<1x128xf32, #tpu.memory_space<vmem>>, vector<1x128xf32>
    %add3A_25 = vector.broadcast %get3A_24 : vector<1x128xf32> to vector<10000x128xf32>
    %add3A_26 = arith.addf %add3A_21, %add3A_25 : vector<10000x128xf32>
    %max3A = arith.constant 0.000000e+00 : f32
    %max3A_27 = vector.broadcast %max3A : f32 to vector<10000x128xf32>
    %max3A_28 = arith.maximumf %add3A_26, %max3A_27 : vector<10000x128xf32>
    %swap3A = arith.constant 0 : index
    %swap3A_29 = arith.constant 0 : index
    %swap3A_30 = vector.load %arg5[%swap3A, %swap3A_29] : memref<10000x128xf32, #tpu.memory_space<vmem>>, vector<10000x128xf32>
    tpu.vector_store %arg5[%swap3A, %swap3A_29], %max3A_28 {strides = array<i32>} : memref<10000x128xf32, #tpu.memory_space<vmem>>, vector<10000x128xf32>,
    return
  }
}

</mosaic_0001>

<sc_bundles>
// kernel: kernel.6.cloned.1.call-start
scs
__scs_entry_jumppad:
0x0: {  	(pc) =	sbr.rel $0x88, $3  }
0x1: {  	(tag) =	ssettag $0x0;
	lr =	simm.s32 $0x1  }
0x2: {  	[smem:$0x3F97] =	sst lr;
	_ =	strace $0xD0000000  }
0x3: {  	_ = 	snop  }
0x4: {  	_ = 	snop  }
0x5: {  	_ = 	snop  }
0x6: {  	_ = 	snop  }
0x7: {  	_ = 	snop  }
__scs_overlays_trampoline_lowered:
0x8: {  	[smem:$0x3FA6] =	sst s0  }
0x9: {  	[smem:$0x3FA7] =	sst s1  }
0xa: {  	[smem:$0x3FA8] =	sst s2  }
0xb: {  	[smem:$0x3FA9] =	sst s3  }
0xc: {  	[smem:$0x3FAA] =	sst s4  }
0xd: {  	[smem:$0x3FAB] =	sst s5  }
0xe: {  	[smem:$0x3FAC] =	sst s6  }
0xf: {  	[smem:$0x3FAD] =	sst s7  }
0x10: {  	[smem:$0x3FAE] =	sst s8  }
0x11: {  	[smem:$0x3FAF] =	sst s9;
	s0 =	simm.s32 @!p0 $0x0  }
0x12: {  	s1 =	sld [smem:$0x3F95];
	s0 =	simm.s32 @p0 $0x1  }
0x13: {  	[smem:$0x3FB0] =	sst s0;
	s0 =	simm.s32 @!p1 $0x0  }
0x14: {  	s2 =	sld [smem:$0x3F94];
	s0 =	simm.s32 @p1 $0x1  }
0x15: {  	[smem:$0x3FB1] =	sst s0;
	s0 =	simm.s32 @!p2 $0x0  }
0x16: {  	s3 =	sld [smem:$0x3FDB];
	s0 =	simm.s32 @p2 $0x1  }
0x17: {  	s4 =	simm.s32 $0x1BF5;
	[smem:$0x3FB3] =	sst s0  }
0x18: {  	s0 =	sld [smem:$0x3F96];
	_ =	swait.ge [sflag:s4], $0x0  }
0x19: {  	s7 =	sld [smem:$0x3F97]  }
0x1a: {  	s8 =	sadd.s32 $0xFFFFE003, lr  }
0x1b: {  	s9 =	sadd.s32 $0xFFFFFEF7, lr;
	s5 =	simm.s32 $0xFFFFFFFF;
	p2 =	slt.u32 s8, $0xFFFFF086  }
0x1c: {  	p1 =	slt.u32 s9, $0xF7A;
	s5 =	simm.s32 @!p2 $0x0  }
0x1d: {  	s5 =	simm.s32 @p1 $0x1;
	p0 =	seq.s32 s7, s2  }
0x1e: {  	s7 =	smul.u32 @!p0 $0xF7A, s2;
	p2 =	seq.s32 @!p0 s5, $0x0  }
0x1f: {  	s9 =	smul.u32 $0xF7A, s1;
	s8 =	simm.s32 @!p0 $0x1BF5;
	p2 =	por !p2, p0  }
0x20: {  	[sflag:s8] =	ssyncset.s32 @!p0 $0xFFFFF086;
	s6 =	sadd.s32 @!p0 s3, s7;
	s7 =	simm.s32 @!p0 $0x108  }
0x21: {  	s3 =	sadd.s32 s3, s9;
	s6 =	sadd.s32 @!p0 $0x88, s6;
	s7 =	simm.s32 @p2 $0x1082  }
0x22: {  	[simem:s7], [sflag:s8] =	dma.local @!p0 [hbm:s6], $0xF7A  }
0x23: {  	s9 =	sor.u32 $0xD0000000, s2;
	s6 =	simm.s32 $0x108;
	_ =	swait.ge @!p0 [sflag:s8], $0x0  }
0x24: {  	s3 =	sadd.s32 $0x88, s3;
	s6 =	simm.s32 @!p1 $0x1082;
	[sflag:s4] =	ssyncset.s32 $0xFFFFF086  }
0x25: {  	[simem:s6], [sflag:s4] =	dma.local [hbm:s3], $0xF7A  }
0x26: {  	[smem:$0x3F97] =	sst s1;
	(tag) =	ssettag s2;
	_ =	strace s9  }
0x27: {  	s1 =	sld [smem:$0x3FA7]  }
0x28: {  	s2 =	sld [smem:$0x3FA8]  }
0x29: {  	s4 =	sld [smem:$0x3FAA]  }
0x2a: {  	p0 =	seq.s32 s5, $0x0;
	s5 =	sld [smem:$0x3FAB]  }
0x2b: {  	s6 =	sld [smem:$0x3FAC]  }
0x2c: {  	s7 =	sld [smem:$0x3FAD]  }
0x2d: {  	s3 =	simm.s32 $0x108;
	s8 =	sld [smem:$0x3FAE]  }
0x2e: {  	s3 =	simm.s32 @!p0 $0x1082;
	s9 =	sld [smem:$0x3FAF]  }
0x2f: {  	lr =	sadd.s32 s0, s3;
	s0 =	sld [smem:$0x3FA6]  }
0x30: {  	s3 =	sld [smem:$0x3FA9]  }
0x31: {  	[smem:$0x3FB2] =	sst s10  }
0x32: {  	s10 =	sld [smem:$0x3FB0];
	_ =	sdelay $0x3  }
0x33: {  	p0 =	seq.s32 s10, $0x1;
	s10 =	sld [smem:$0x3FB2];
	_ =	sdelay $0x3  }
0x34: {  	[smem:$0x3FB2] =	sst s10  }
0x35: {  	s10 =	sld [smem:$0x3FB1];
	_ =	sdelay $0x3  }
0x36: {  	p1 =	seq.s32 s10, $0x1;
	s10 =	sld [smem:$0x3FB2];
	_ =	sdelay $0x3  }
0x37: {  	[smem:$0x3FB2] =	sst s10  }
0x38: {  	s10 =	sld [smem:$0x3FB3]  }
0x39: {  	_ = 	snop;
	(pc) =	sbr.ind lr, $3  }
0x3a: {  	_ = 	snop  }
0x3b: {  	_ = 	snop  }
0x3c: {  	p2 =	seq.s32 s10, $0x1;
	s10 =	sld [smem:$0x3FB2]  }
0x3d: {  	_ =	shalt  }
0x3e: {  	_ =	shalt  }
0x3f: {  	_ =	shalt  }
0x40: {  	_ =	shalt  }
0x41: {  	_ =	shalt  }
0x42: {  	_ =	shalt  }
0x43: {  	_ =	shalt  }
0x44: {  	_ =	shalt  }
0x45: {  	_ =	shalt  }
0x46: {  	_ =	shalt  }
0x47: {  	_ =	shalt  }
0x48: {  	_ =	shalt  }
0x49: {  	_ =	shalt  }
0x4a: {  	_ =	shalt  }
0x4b: {  	_ =	shalt  }
0x4c: {  	_ =	shalt  }
0x4d: {  	_ =	shalt  }
0x4e: {  	_ =	shalt  }
0x4f: {  	_ =	shalt  }
0x50: {  	_ =	shalt  }
0x51: {  	_ =	shalt  }
0x52: {  	_ =	shalt  }
0x53: {  	_ =	shalt  }
0x54: {  	_ =	shalt  }
0x55: {  	_ =	shalt  }
0x56: {  	_ =	shalt  }
0x57: {  	_ =	shalt  }
0x58: {  	_ =	shalt  }
0x59: {  	_ =	shalt  }
0x5a: {  	_ =	shalt  }
0x5b: {  	_ =	shalt  }
0x5c: {  	_ =	shalt  }
0x5d: {  	_ =	shalt  }
0x5e: {  	_ =	shalt  }
0x5f: {  	_ =	shalt  }
0x60: {  	_ =	shalt  }
0x61: {  	_ =	shalt  }
0x62: {  	_ =	shalt  }
0x63: {  	_ =	shalt  }
0x64: {  	_ =	shalt  }
0x65: {  	_ =	shalt  }
0x66: {  	_ =	shalt  }
0x67: {  	_ =	shalt  }
0x68: {  	_ =	shalt  }
0x69: {  	_ =	shalt  }
0x6a: {  	_ =	shalt  }
0x6b: {  	_ =	shalt  }
0x6c: {  	_ =	shalt  }
0x6d: {  	_ =	shalt  }
0x6e: {  	_ =	shalt  }
0x6f: {  	_ =	shalt  }
0x70: {  	_ =	shalt  }
0x71: {  	_ =	shalt  }
0x72: {  	_ =	shalt  }
0x73: {  	_ =	shalt  }
0x74: {  	_ =	shalt  }
0x75: {  	_ =	shalt  }
0x76: {  	_ =	shalt  }
0x77: {  	_ =	shalt  }
0x78: {  	_ =	shalt  }
0x79: {  	_ =	shalt  }
0x7a: {  	_ =	shalt  }
0x7b: {  	_ =	shalt  }
0x7c: {  	_ =	shalt  }
0x7d: {  	_ =	shalt  }
0x7e: {  	_ =	shalt  }
0x7f: {  	_ =	shalt  }
0x80: {  	_ =	shalt  }
0x81: {  	_ =	shalt  }
0x82: {  	_ =	shalt  }
0x83: {  	_ =	shalt  }
0x84: {  	_ =	shalt  }
0x85: {  	_ =	shalt  }
0x86: {  	_ =	shalt  }
0x87: {  	_ =	shalt  }
.Lfunc_end0:
.L_simem_size_0:
called_computation_lowered:
.L_overlay_start_0:
0x88: {  	s2 =	sld [smem:$0x3FD9]  }
0x89: {  	s3 =	sld [smem:$0x3FFE];
	_ =	sdelay $0x1  }
0x8a: {  	s1 =	srdreg.scid  }
0x8b: {  	s0 =	sand.u32 $0x1, s1  }
0x8c: {  	s17 =	sshll.u32 s0, $0xA;
	s2 =	sadd.s32 s3, s2  }
0x8d: {  	s2 =	sadd.s32 s2, s17  }
0x8e: {  	[smem:$0x3FBE] =	sst s2  }
0x8f: {  	_ = 	snop  }
0x90: {  	s2 =	sld [smem:$0x3FD0];
	(tm) =	ssettm $0x1  }
0x91: {  	s18 =	sld [smem:$0x3FFB];
	_ =	sdelay $0x3  }
0x92: {  	_ =	strace s18  }
0x93: {  	s3 =	sld [smem:$0x3FFC];
	_ =	sdelay $0x3  }
0x94: {  	_ =	strace s3  }
0x95: {  	s3 =	sld [smem:$0x3FFD];
	_ =	sdelay $0x3  }
0x96: {  	_ =	strace s3  }
0x97: {  	_ =	strace $0x8FFFFFFF  }
0x98: {  	s19 =	sld [smem:$0x3FDB];
	_ =	sdelay $0x1  }
0x99: {  	s4 =	simm.s32 $_scs_section_size  }
0x9a: {  	s5 =	simm.s32 $_size__tile_overlayer_lowered;
	s6 =	simm.s32 $_tile_overlayer_lowered  }
0x9b: {  	s22 =	simm.s32 $0x1BFF;
	s21 =	sshll.u32 s6, $0x1;
	s3 =	sadd.s32 s4, s19  }
0x9c: {  	s7 =	simm.s32 $0x0;
	s20 =	sshll.u32 s5, $0x1;
	s5 =	sadd.s32 s21, s3  }
0x9d: {  	[timem:s7], [sflag:s22] =	dma.local [hbm:s5], s20  }
0x9e: {  	_ =	swait.ge [sflag:s22], s20  }
0x9f: {  	s4 =	ssub.s32 $0x0, s20;
	[sflag:s22] =	ssyncset.done $0x0  }
0xa0: {  	[sflag:s22] =	ssyncadd.s32 s4;
	_ =	sdelay $0x1  }
0xa1: {  	s23 =	simm.s32 $0x1B8B  }
0xa2: {  	_ =	swait.ge [sflag:s23], $0x1  }
0xa3: {  	[sflag:s23] =	ssyncset.done $0x0  }
0xa4: {  	s25 =	simm.s32 $0x1B8E;
	s24 =	sld [smem:$0x3FFE];
	[sflag:s23] =	ssyncadd.s32 $0xFFFFFFFF  }
0xa5: {  	s26 =	simm.s32 $execute0_lowered;
	[smem:$0x3FD2] =	sst s25  }
0xa6: {  	s5 =	sshll.u32 s26, $0x1;
	_ =	strace $0x80000046;
	[dreg:$0x1] =	wrdreg $0xFFFFFFFF  }
0xa7: {  	s28 =	simm.s32 $_size_execute0_lowered;
	s3 =	sadd.s32 s3, s5;
	[dreg:$0x0] =	wrdreg $0x0  }
0xa8: {  	s5 =	sshll.u32 s28, $0x1;
	[dreg:$0x2] =	wrdreg s3  }
0xa9: {  	[dreg:$0x3] =	wrdreg s5  }
0xaa: {  	[dreg:$0x4] =	wrdreg $0xC0  }
0xab: {  	_ =	task [dreg:s7], $0x5FFFF  }
0xac: {  	[dreg:$0x1] =	wrdreg $0xFFFFFFFF  }
0xad: {  	[dreg:$0x0] =	wrdreg $0x60  }
0xae: {  	[dreg:$0x2] =	wrdreg s2  }
0xaf: {  	[dreg:$0x3] =	wrdreg s24  }
0xb0: {  	[dreg:$0x4] =	wrdreg $0x66000  }
0xb1: {  	[dreg:$0x5] =	wrdreg $0x9  }
0xb2: {  	_ =	task.clear_ibuf [dreg:s7], $0x6FFFF;
	_ =	strace $0x90000046  }
0xb3: {  	s29 =	simm.s32 $0x9;
	_ =	strace $0x80000048  }
0xb4: {  	_ =	swait.ge [sflag:s29], $0x1  }
0xb5: {  	[sflag:s29] =	ssyncadd.s32 $0xFFFFFFFF  }
0xb6: {  	_ =	strace $0x90000048  }
0xb7: {  	_ =	sfence  }
0xb8: {  	s30 =	sld [smem:$0x0];
	_ =	sdelay $0x2  }
0xb9: {  	s31 =	sshll.u32 s1, $0xD;
	s1 =	sshrl.u32 s1, $0x2  }
0xba: {  	s3 =	sand.u32 $0x4000, s31;
	s1 =	sadd.s32 s1, s30  }
0xbb: {  	s0 =	sor.u32 s3, s0;
	s1 =	sshll.u32 s1, $0x11  }
0xbc: {  	s0 =	sor.u32 s1, s0  }
0xbd: {  	s0 =	sadd.s32 $0x8F2B, s0  }
0xbe: {  	[sflag:s0] =	ssyncadd.remote.s32 $0x1  }
0xbf: {  	_ =	sfence.sel $0xFFFF  }
0xc0: {  	[dreg:$0x0] =	wrdreg $0xFFFFFFFF;
	(pc) =	sbr.abs _section_cstart, $3  }
0xc1: {  	[dreg:$0x1] =	wrdreg $0xFFFFFFFF  }
0xc2: {  	_ =	task.clear_ibuf [dreg:s7], $0x2FFFF;
	_ =	strace $0x9FFFFFFF  }
0xc3: {  	(tm) =	ssettm $0x7FFFFFFF  }
tec
execute0_lowered:
.L_overlay_start_1:
0x0: {  	(tag) =	ssettag $0x1  }
0x1: {  	s1 =	rddreg [dreg:$0x0]  }
0x2: {  	s0 =	rddreg [dreg:$0x1]  }
0x3: {  	s2 =	rddreg [dreg:$0x2]  }
0x4: {  	s4 =	simm.s32 $0x0;
	s3 =	srdreg.scid;
	s13 =	stileid.u32  }
0x5: {  	[smem:$0x7FF] =	sst s4;
	s3 =	sand.u32 $0x1, s3;
	s8 =	smul.u32 $0x1F400, s13  }
0x6: {  	s9 =	sshll.u32 s13, $0x1;
	s5 =	sadd.s32 $0xB600, s0;
	s7 =	smul.u32 $0x138800, s3  }
0x7: {  	s6 =	sadd.s32 $0x1800, s0;
	s9 =	sor.u32 s3, s9;
	s3 =	ssub.s32 $0x2, s3  }
0x8: {  	s11 =	sshrl.u32 s3, $0x1;
	s10 =	sadd.s32 s8, s7;
	s7 =	smul.u32 $0x2710, s9  }
0x9: {  	_ =	strace $0x80000047;
	s3 =	ssub.s32 s3, s11;
	s9 =	smul.u32 $0x27100, s9  }
0xa: {  	s8 =	sadd.s32 $0x4F7400, s0;
	s10 =	sshrl.u32 s10, $0x3;
	s3 =	smax.u32 s3, $0x1  }
0xb: {  	s17 =	sshrl.u32 s7, $0x3;
	s9 =	sadd.s32 s8, s9;
	[dreg:$0xc] =	wrdreg s3  }
0xc: {  	s0 =	sadd.s32 s10, s0;
	s18 =	sadd.s32 s5, s17;
	[dreg:$0x8] =	wrdreg s9  }
0xd: {  	s19 =	sadd.s32 $0x28, s7;
	s10 =	sadd.s32 s6, s17;
	[dreg:$0x4] =	wrdreg s18  }
0xe: {  	s20 =	sshrl.u32 s19, $0x3;
	s0 =	sadd.s32 $0x15400, s0;
	[dreg:$0x5] =	wrdreg s10  }
0xf: {  	s12 =	smul.u32 $0x7D000, s13;
	s14 =	sadd.s32 s5, s20;
	[dreg:$0xa] =	wrdreg s0  }
0x10: {  	s21 =	sshll.u32 s19, $0x4;
	s10 =	sadd.s32 s6, s20;
	[dreg:$0x6] =	wrdreg s14  }
0x11: {  	s23 =	sshrl.u32 s12, $0x2;
	s22 =	sadd.s32 s8, s21;
	[dreg:$0x7] =	wrdreg s10  }
0x12: {  	s0 =	sadd.s32 s23, s2;
	[dreg:$0x9] =	wrdreg s22  }
0x13: {  	s24 =	sadd.s32 $0x1400, s0;
	[dreg:$0xb] =	wrdreg s0  }
0x14: {  	s25 =	sadd.s32 $0x2800, s0;
	[dreg:$0xd] =	wrdreg s24  }
0x15: {  	s26 =	sadd.s32 $0x3C00, s0;
	[dreg:$0xe] =	wrdreg s25  }
0x16: {  	s29 =	sadd.s32 $0x5000, s0;
	[dreg:$0xf] =	wrdreg s26  }
0x17: {  	s9 =	sadd.s32 $0x6400, s0;
	[dreg:$0x10] =	wrdreg s29  }
0x18: {  	s10 =	sadd.s32 $0x7800, s0;
	[dreg:$0x11] =	wrdreg s9  }
0x19: {  	s11 =	sadd.s32 $0x8C00, s0;
	[dreg:$0x12] =	wrdreg s10  }
0x1a: {  	s12 =	sadd.s32 $0xA000, s0;
	[dreg:$0x13] =	wrdreg s11  }
0x1b: {  	p0 =	sgt.u32 s13, $0x9;
	s13 =	sadd.s32 $0xB400, s0;
	[dreg:$0x14] =	wrdreg s12  }
0x1c: {  	s14 =	sadd.s32 $0xC800, s0;
	[dreg:$0x15] =	wrdreg s13  }
0x1d: {  	s15 =	sadd.s32 $0xDC00, s0;
	[dreg:$0x16] =	wrdreg s14  }
0x1e: {  	s16 =	sadd.s32 $0xF000, s0;
	[dreg:$0x17] =	wrdreg s15  }
0x1f: {  	s17 =	sadd.s32 $0x10400, s0;
	[dreg:$0x18] =	wrdreg s16  }
0x20: {  	s18 =	sadd.s32 $0x11800, s0;
	[dreg:$0x19] =	wrdreg s17  }
0x21: {  	s19 =	sadd.s32 $0x12C00, s0;
	[dreg:$0x1a] =	wrdreg s18  }
0x22: {  	s20 =	sadd.s32 $0x14000, s0;
	[dreg:$0x1b] =	wrdreg s19  }
0x23: {  	s21 =	sadd.s32 $0x15400, s0;
	[dreg:$0x1c] =	wrdreg s20  }
0x24: {  	s30 =	simm.s32 $0x9;
	s22 =	sadd.s32 $0x16800, s0;
	[dreg:$0x1d] =	wrdreg s21  }
0x25: {  	s31 =	simm.s32 $0x100;
	s23 =	sadd.s32 $0x17C00, s0;
	[dreg:$0x1e] =	wrdreg s22  }
0x26: {  	s28 =	simm.s32 $0xA;
	s3 =	simm.s32 $0x7;
	[dreg:$0x1f] =	wrdreg s23  }
0x27: {  	s24 =	sadd.s32 $0x19000, s0;
	s25 =	sadd.s32 $0x1A400, s0;
	s26 =	sadd.s32 $0x1B800, s0  }
0x28: {  	s29 =	sadd.s32 $0x1CC00, s0;
	s0 =	sadd.s32 $0x1E000, s0;
	s18 =	simm.s32 $0x180  }
0x29: {  	s20 =	simm.s32 $0x28;
	s21 =	simm.s32 $0x200;
	[smem:$0x7F9] =	sst s24  }
.Ltmp0:
0x2a: {  	s22 =	simm.s32 $0x6;
	[smem:$0x7FA] =	sst s25;
	(pc) =	sbr.rel .LBB2_1-.Ltmp0, $4  }
0x2b: {  	s23 =	simm.s32 $0x1600;
	s9 =	simm.s32 $0x2;
	[smem:$0x7FB] =	sst s26  }
0x2c: {  	s10 =	simm.s32 $0x4;
	s11 =	simm.s32 $0x8;
	[smem:$0x7FC] =	sst s29  }
0x2d: {  	s14 =	simm.s32 $0x0;
	[smem:$0x7FD] =	sst s0;
	s0 =	simm.s32 $0x80  }
0x2e: {  	v0 =	vimm.f32 $0.0e+00;
	s24 =	simm.s32 $0x3E00;
	s25 =	simm.s32 $0x1;
	s26 =	simm.s32 $0x3  }
.LBB2_12:
0x2f: {  	s12 =	stileid.u32;
	[bflag:$0x0] =	sbarrier.arrive $0xFFFF  }
0x30: {  	s12 =	sshll.u32 @!p0 s12, $0x6;
	s13 =	rddreg [dreg:$0xb]  }
0x31: {  	s14 =	rddreg [dreg:$0xa];
	s12 =	sor.u32 @!p0 $0x1C0A, s12;
	s13 =	sshrl.u32 @!p0 s13, $0x3  }
0x32: {  	[hbm:s14], [sflag:s12] =	dma.local @!p0 [spmem:s13], $0x3E80  }
0x33: {  	s12 =	simm.s32 @!p0 $0xA  }
0x34: {  	_ =	swait.ge @!p0 [sflag:s12], $0x3E80  }
0x35: {  	s19 =	sld [smem:$0x7F8];
	_ =	sdelay $0x2  }
0x36: {  	s29 =	rddreg [dreg:$0xc];
	s14 =	sadd.s32 $0x1, s19  }
0x37: {  	p1 =	sne.s32 s14, s29  }
.Ltmp1:
0x38: {  	_ = 	snop;
	(pc) =	sbr.rel @!p1 .LBB2_13-.Ltmp1, $3  }
0x39: {  	_ =	sdelay $0x1  }
0x3a: {  	[sflag:s12] =	ssyncset.done @!p0 $0x0  }
0x3b: {  	[sflag:s12] =	ssyncadd.s32 @!p0 $0xFFFFC180  }
.LBB2_1:
.Ltmp2:
0x3c: {  	(pc) =	sbr.rel @p0 .LBB2_5-.Ltmp2, $2  }
0x3d: {  	_ =	sdelay $0x2  }
0x3e: {  	[smem:$0x7F8] =	sst s14  }
0x3f: {  	s12 =	sand.u32 $0x7E00, s4  }
0x40: {  	s13 =	sand.u32 $0x70, s4;
	s14 =	sshrl.u32 s12, $0x2  }
0x41: {  	s12 =	simm.s32 $0x40;
	s14 =	sor.u32 s13, s14;
	s13 =	simm.s32 $0x0  }
.LBB2_3:
0x42: {  	p1 =	sne.s32 s12, $0x4FC0  }
0x43: {  	[tilespmem:s14+$0x5200] =	vst v0;
	s13 =	sadd.s32 $0x10, s13;
	s14 =	smov.u32 s12;
	s12 =	sadd.s32 $0x40, s12  }
.Ltmp3:
0x44: {  	(pc) =	sbr.rel @p1 .LBB2_3-.Ltmp3, $4  }
0x45: {  	_ = 	snop  }
0x46: {  	s14 =	sand.u32 $0x7E00, s14  }
0x47: {  	s15 =	sand.u32 $0x70, s13;
	s14 =	sshrl.u32 s14, $0x2  }
0x48: {  	s14 =	sor.u32 s15, s14  }
0x49: {  	s12 =	rddreg [dreg:$0xb]  }
0x4a: {  	[tilespmem:s14+$0x5200] =	vst v0;
	s13 =	simm.s32 $0x5200;
	s14 =	rddreg [dreg:$0xd]  }
0x4b: {  	[spmem:s12] =	stream.linear.scatter [tilespmem:s13], [sflag:$0x9], $0x1400, $0x38;
	[tilespmem:$0x19E80] =	vst v63  }
0x4c: {  	s15 =	rddreg [dreg:$0xe]  }
0x4d: {  	[spmem:s14] =	stream.linear.scatter [tilespmem:s13], [sflag:$0x9], $0x1400, $0x38;
	[tilespmem:$0x19E80] =	vst v63  }
0x4e: {  	s16 =	rddreg [dreg:$0xf]  }
0x4f: {  	[spmem:s15] =	stream.linear.scatter [tilespmem:s13], [sflag:$0x9], $0x1400, $0x38;
	[tilespmem:$0x19E80] =	vst v63  }
0x50: {  	s17 =	rddreg [dreg:$0x10]  }
0x51: {  	[spmem:s16] =	stream.linear.scatter [tilespmem:s13], [sflag:$0x9], $0x1400, $0x38;
	[tilespmem:$0x19E80] =	vst v63  }
0x52: {  	s19 =	rddreg [dreg:$0x11]  }
0x53: {  	[spmem:s17] =	stream.linear.scatter [tilespmem:s13], [sflag:$0x9], $0x1400, $0x38;
	[tilespmem:$0x19E80] =	vst v63  }
0x54: {  	s29 =	rddreg [dreg:$0x12]  }
0x55: {  	[spmem:s19] =	stream.linear.scatter [tilespmem:s13], [sflag:$0x9], $0x1400, $0x38;
	[tilespmem:$0x19E80] =	vst v63  }
0x56: {  	s14 =	rddreg [dreg:$0x13]  }
0x57: {  	[spmem:s29] =	stream.linear.scatter [tilespmem:s13], [sflag:$0x9], $0x1400, $0x38;
	[tilespmem:$0x19E80] =	vst v63  }
0x58: {  	s15 =	rddreg [dreg:$0x14]  }
0x59: {  	[spmem:s14] =	stream.linear.scatter [tilespmem:s13], [sflag:$0x9], $0x1400, $0x38;
	[tilespmem:$0x19E80] =	vst v63  }
0x5a: {  	s16 =	rddreg [dreg:$0x15]  }
0x5b: {  	[spmem:s15] =	stream.linear.scatter [tilespmem:s13], [sflag:$0x9], $0x1400, $0x38;
	[tilespmem:$0x19E80] =	vst v63  }
0x5c: {  	s17 =	rddreg [dreg:$0x16]  }
0x5d: {  	[spmem:s16] =	stream.linear.scatter [tilespmem:s13], [sflag:$0x9], $0x1400, $0x38;
	[tilespmem:$0x19E80] =	vst v63  }
0x5e: {  	s19 =	rddreg [dreg:$0x17]  }
0x5f: {  	[spmem:s17] =	stream.linear.scatter [tilespmem:s13], [sflag:$0x9], $0x1400, $0x38;
	[tilespmem:$0x19E80] =	vst v63  }
0x60: {  	s29 =	rddreg [dreg:$0x18]  }
0x61: {  	[spmem:s19] =	stream.linear.scatter [tilespmem:s13], [sflag:$0x9], $0x1400, $0x38;
	[tilespmem:$0x19E80] =	vst v63  }
0x62: {  	s14 =	rddreg [dreg:$0x19]  }
0x63: {  	[spmem:s29] =	stream.linear.scatter [tilespmem:s13], [sflag:$0x9], $0x1400, $0x38;
	[tilespmem:$0x19E80] =	vst v63  }
0x64: {  	s15 =	rddreg [dreg:$0x1a]  }
0x65: {  	[spmem:s14] =	stream.linear.scatter [tilespmem:s13], [sflag:$0x9], $0x1400, $0x38;
	[tilespmem:$0x19E80] =	vst v63  }
0x66: {  	s16 =	rddreg [dreg:$0x1b]  }
0x67: {  	[spmem:s15] =	stream.linear.scatter [tilespmem:s13], [sflag:$0x9], $0x1400, $0x38;
	[tilespmem:$0x19E80] =	vst v63  }
0x68: {  	s17 =	rddreg [dreg:$0x1c]  }
0x69: {  	[spmem:s16] =	stream.linear.scatter [tilespmem:s13], [sflag:$0x9], $0x1400, $0x38;
	[tilespmem:$0x19E80] =	vst v63  }
0x6a: {  	s19 =	rddreg [dreg:$0x1d]  }
0x6b: {  	[spmem:s17] =	stream.linear.scatter [tilespmem:s13], [sflag:$0x9], $0x1400, $0x38;
	[tilespmem:$0x19E80] =	vst v63  }
0x6c: {  	s29 =	rddreg [dreg:$0x1e]  }
0x6d: {  	[spmem:s19] =	stream.linear.scatter [tilespmem:s13], [sflag:$0x9], $0x1400, $0x38;
	[tilespmem:$0x19E80] =	vst v63  }
0x6e: {  	s14 =	rddreg [dreg:$0x1f]  }
0x6f: {  	[spmem:s29] =	stream.linear.scatter [tilespmem:s13], [sflag:$0x9], $0x1400, $0x38;
	[tilespmem:$0x19E80] =	vst v63  }
0x70: {  	s15 =	sld [smem:$0x7F9]  }
0x71: {  	[spmem:s14] =	stream.linear.scatter [tilespmem:s13], [sflag:$0x9], $0x1400, $0x38;
	[tilespmem:$0x19E80] =	vst v63  }
0x72: {  	s16 =	sld [smem:$0x7FA]  }
0x73: {  	[spmem:s15] =	stream.linear.scatter [tilespmem:s13], [sflag:$0x9], $0x1400, $0x38;
	[tilespmem:$0x19E80] =	vst v63  }
0x74: {  	s17 =	sld [smem:$0x7FB]  }
0x75: {  	[spmem:s16] =	stream.linear.scatter [tilespmem:s13], [sflag:$0x9], $0x1400, $0x38;
	[tilespmem:$0x19E80] =	vst v63  }
0x76: {  	s19 =	sld [smem:$0x7FC]  }
0x77: {  	[spmem:s17] =	stream.linear.scatter [tilespmem:s13], [sflag:$0x9], $0x1400, $0x38;
	[tilespmem:$0x19E80] =	vst v63  }
0x78: {  	s29 =	sld [smem:$0x7FD]  }
0x79: {  	[spmem:s19] =	stream.linear.scatter [tilespmem:s13], [sflag:$0x9], $0x1400, $0x38;
	[tilespmem:$0x19E80] =	vst v63  }
0x7a: {  	_ = 	snop  }
0x7b: {  	[spmem:s29] =	stream.linear.scatter [tilespmem:s13], [sflag:$0x9], $0x1400, $0x38;
	[tilespmem:$0x19E80] =	vst v63  }
0x7c: {  	_ =	swait.ge [sflag:s30], $0x1400  }
0x7d: {  	[sflag:s30] =	ssyncset.done $0x0  }
0x7e: {  	[sflag:s30] =	ssyncadd.s32 $0xFFFFEC00  }
0x7f: {  	_ =	swait.ge [sflag:s30], $0x1400  }
0x80: {  	[sflag:s30] =	ssyncset.done $0x0  }
0x81: {  	[sflag:s30] =	ssyncadd.s32 $0xFFFFEC00  }
0x82: {  	_ =	swait.ge [sflag:s30], $0x1400  }
0x83: {  	[sflag:s30] =	ssyncset.done $0x0  }
0x84: {  	[sflag:s30] =	ssyncadd.s32 $0xFFFFEC00  }
0x85: {  	_ =	swait.ge [sflag:s30], $0x1400  }
0x86: {  	[sflag:s30] =	ssyncset.done $0x0  }
0x87: {  	[sflag:s30] =	ssyncadd.s32 $0xFFFFEC00  }
0x88: {  	_ =	swait.ge [sflag:s30], $0x1400  }
0x89: {  	[sflag:s30] =	ssyncset.done $0x0  }
0x8a: {  	[sflag:s30] =	ssyncadd.s32 $0xFFFFEC00  }
0x8b: {  	_ =	swait.ge [sflag:s30], $0x1400  }
0x8c: {  	[sflag:s30] =	ssyncset.done $0x0  }
0x8d: {  	[sflag:s30] =	ssyncadd.s32 $0xFFFFEC00  }
0x8e: {  	_ =	swait.ge [sflag:s30], $0x1400  }
0x8f: {  	[sflag:s30] =	ssyncset.done $0x0  }
0x90: {  	[sflag:s30] =	ssyncadd.s32 $0xFFFFEC00  }
0x91: {  	_ =	swait.ge [sflag:s30], $0x1400  }
0x92: {  	[sflag:s30] =	ssyncset.done $0x0  }
0x93: {  	[sflag:s30] =	ssyncadd.s32 $0xFFFFEC00  }
0x94: {  	_ =	swait.ge [sflag:s30], $0x1400  }
0x95: {  	[sflag:s30] =	ssyncset.done $0x0  }
0x96: {  	[sflag:s30] =	ssyncadd.s32 $0xFFFFEC00  }
0x97: {  	_ =	swait.ge [sflag:s30], $0x1400  }
0x98: {  	[sflag:s30] =	ssyncset.done $0x0  }
0x99: {  	[sflag:s30] =	ssyncadd.s32 $0xFFFFEC00  }
0x9a: {  	_ =	swait.ge [sflag:s30], $0x1400  }
0x9b: {  	[sflag:s30] =	ssyncset.done $0x0  }
0x9c: {  	[sflag:s30] =	ssyncadd.s32 $0xFFFFEC00  }
0x9d: {  	_ =	swait.ge [sflag:s30], $0x1400  }
0x9e: {  	[sflag:s30] =	ssyncset.done $0x0  }
0x9f: {  	[sflag:s30] =	ssyncadd.s32 $0xFFFFEC00  }
0xa0: {  	_ =	swait.ge [sflag:s30], $0x1400  }
0xa1: {  	[sflag:s30] =	ssyncset.done $0x0  }
0xa2: {  	[sflag:s30] =	ssyncadd.s32 $0xFFFFEC00  }
0xa3: {  	_ =	swait.ge [sflag:s30], $0x1400  }
0xa4: {  	[sflag:s30] =	ssyncset.done $0x0  }
0xa5: {  	[sflag:s30] =	ssyncadd.s32 $0xFFFFEC00  }
0xa6: {  	_ =	swait.ge [sflag:s30], $0x1400  }
0xa7: {  	[sflag:s30] =	ssyncset.done $0x0  }
0xa8: {  	[sflag:s30] =	ssyncadd.s32 $0xFFFFEC00  }
0xa9: {  	_ =	swait.ge [sflag:s30], $0x1400  }
0xaa: {  	[sflag:s30] =	ssyncset.done $0x0  }
0xab: {  	[sflag:s30] =	ssyncadd.s32 $0xFFFFEC00  }
0xac: {  	_ =	swait.ge [sflag:s30], $0x1400  }
0xad: {  	[sflag:s30] =	ssyncset.done $0x0  }
0xae: {  	[sflag:s30] =	ssyncadd.s32 $0xFFFFEC00  }
0xaf: {  	_ =	swait.ge [sflag:s30], $0x1400  }
0xb0: {  	[sflag:s30] =	ssyncset.done $0x0  }
0xb1: {  	[sflag:s30] =	ssyncadd.s32 $0xFFFFEC00  }
0xb2: {  	_ =	swait.ge [sflag:s30], $0x1400  }
0xb3: {  	[sflag:s30] =	ssyncset.done $0x0  }
0xb4: {  	[sflag:s30] =	ssyncadd.s32 $0xFFFFEC00  }
0xb5: {  	_ =	swait.ge [sflag:s30], $0x1400  }
0xb6: {  	[sflag:s30] =	ssyncset.done $0x0  }
0xb7: {  	[sflag:s30] =	ssyncadd.s32 $0xFFFFEC00  }
0xb8: {  	_ =	swait.ge [sflag:s30], $0x1400  }
0xb9: {  	[sflag:s30] =	ssyncset.done $0x0  }
0xba: {  	[sflag:s30] =	ssyncadd.s32 $0xFFFFEC00  }
0xbb: {  	_ =	swait.ge [sflag:s30], $0x1400  }
0xbc: {  	[sflag:s30] =	ssyncset.done $0x0  }
0xbd: {  	[sflag:s30] =	ssyncadd.s32 $0xFFFFEC00  }
0xbe: {  	_ =	swait.ge [sflag:s30], $0x1400  }
0xbf: {  	[sflag:s30] =	ssyncset.done $0x0  }
0xc0: {  	[sflag:s30] =	ssyncadd.s32 $0xFFFFEC00  }
0xc1: {  	_ =	swait.ge [sflag:s30], $0x1400  }
0xc2: {  	[sflag:s30] =	ssyncset.done $0x0  }
0xc3: {  	[sflag:s30] =	ssyncadd.s32 $0xFFFFEC00  }
0xc4: {  	_ =	swait.ge [sflag:s30], $0x1400  }
0xc5: {  	[sflag:s30] =	ssyncset.done $0x0  }
0xc6: {  	[sflag:s30] =	ssyncadd.s32 $0xFFFFEC00  }
.LBB2_5:
0xc7: {  	s13 =	simm.s32 $0x0;
	s12 =	rddreg [dreg:$0x4]  }
0xc8: {  	[tilespmem:s13], [sflag:$0x5] =	stream.linear.gather [hbm4b:s12+s13], $0x28, $0x38;
	[tilespmem:$0x19E80] =	vst v63  }
0xc9: {  	s14 =	rddreg [dreg:$0x5]  }
0xca: {  	[tilespmem:s31], [sflag:$0x7] =	stream.linear.gather [hbm4b:s14+s13], $0x28, $0x38;
	[tilespmem:$0x19E80] =	vst v63  }
0xcb: {  	s15 =	rddreg [dreg:$0x6]  }
0xcc: {  	[tilespmem:s0], [sflag:$0x6] =	stream.linear.gather [hbm4b:s15+s13], $0x28, $0x38;
	[tilespmem:$0x19E80] =	vst v63  }
0xcd: {  	s16 =	rddreg [dreg:$0x7];
	s17 =	simm.s32 $0x5  }
0xce: {  	[tilespmem:s18], [sflag:$0x8] =	stream.linear.gather [hbm4b:s16+s13], $0x28, $0x38;
	[tilespmem:$0x19E80] =	vst v63  }
0xcf: {  	_ =	swait.ge [sflag:s17], $0x28  }
0xd0: {  	[sflag:s17] =	ssyncset.done $0x0  }
0xd1: {  	[sflag:s17] =	ssyncadd.s32 $0xFFFFFFD8  }
0xd2: {  	[tilespmem:s21], [sflag:$0x1] =	stream.indirect.gather [hbm4b:s1+s20], $0x80, s13, s20, $0xb8;
	[tilespmem:$0x19E80] =	vst v63  }
0xd3: {  	s14 =	simm.s32 $0x2A00;
	s19 =	rddreg [dreg:$0x8]  }
0xd4: {  	[tilespmem:s14], [sflag:$0x3] =	stream.linear.gather [hbm4b:s19+s13], $0x1400, $0x38;
	[tilespmem:$0x19E80] =	vst v63  }
0xd5: {  	_ =	swait.ge [sflag:s22], $0x28  }
0xd6: {  	[sflag:s22] =	ssyncset.done $0x0  }
0xd7: {  	[sflag:s22] =	ssyncadd.s32 $0xFFFFFFD8  }
0xd8: {  	[tilespmem:s23], [sflag:$0x2] =	stream.indirect.gather [hbm4b:s1+s20], $0x80, s0, s20, $0xb8;
	[tilespmem:$0x19E80] =	vst v63  }
0xd9: {  	s29 =	rddreg [dreg:$0x9]  }
0xda: {  	[tilespmem:s24], [sflag:$0x4] =	stream.linear.gather [hbm4b:s29+s13], $0x1400, $0x38;
	[tilespmem:$0x19E80] =	vst v63  }
0xdb: {  	[bflag:$0x0] =	sbarrier.arrive $0xFFFF  }
.LBB2_6:
0xdc: {  	s14 =	sshll.u32 s13, $0x1  }
0xdd: {  	_ =	swait.ge [sflag:s25], $0x1400;
	p1 =	seq.s32 s13, $0x7C;
	s12 =	sadd.s32 $0x2, s14  }
0xde: {  	[sflag:s25] =	ssyncset.done $0x0;
	s12 =	smul.u32 @!p1 $0x28, s12  }
0xdf: {  	[sflag:s25] =	ssyncadd.s32 $0xFFFFEC00  }
0xe0: {  	_ =	swait.ge [sflag:s26], $0x1400;
	s15 =	sadd.s32 @!p1 s7, s12  }
0xe1: {  	[sflag:s26] =	ssyncset.done $0x0;
	s17 =	sshrl.u32 @!p1 s15, $0x3  }
0xe2: {  	s16 =	simm.s32 @!p1 $0x0;
	[sflag:s26] =	ssyncadd.s32 $0xFFFFEC00;
	s12 =	sadd.s32 @!p1 s5, s17  }
0xe3: {  	[tilespmem:s16], [sflag:$0x5] =	stream.linear.gather @!p1 [hbm4b:s12+s16], $0x28, $0x38;
	[tilespmem:$0x19E80] =	vst v63  }
0xe4: {  	s16 =	simm.s32 $0x2A20  }
0xe5: {  	s19 =	simm.s32 $0x240;
	v1 =	vld [tilespmem:s16+$0x10]  }
0xe6: {  	v2 =	vld [tilespmem:s19+$0x30]  }
0xe7: {  	v3 =	vld [tilespmem:s16+$0xFFFFFFF0]  }
0xe8: {  	v9 =	vld [tilespmem:s16+$0x0]  }
0xe9: {  	v8 =	vld [tilespmem:s16+$0xFFFFFFE0]  }
0xea: {  	v11 =	vld [tilespmem:s19+$0xFFFFFFC0]  }
0xeb: {  	v13 =	vld [tilespmem:s19+$0x0]  }
0xec: {  	v7 =	vld [tilespmem:s19+$0xFFFFFFD0];
	v4 =	vand.u32 $0xFFFF0000, v1  }
0xed: {  	v5 =	vld [tilespmem:s19+$0x10];
	v1 =	vshll.u32 v1, $0x10;
	v4 =	vadd.f32 v4, v2  }
0xee: {  	v6 =	vld [tilespmem:s19+$0xFFFFFFE0];
	v10 =	vshll.u32 v3, $0x10;
	v12 =	vshll.u32 v8, $0x10;
	v14 =	vand.u32 $0xFFFF0000, v8  }
0xef: {  	v8 =	vld [tilespmem:s19+$0x20];
	v2 =	vand.u32 $0xFFFF0000, v3;
	v12 =	vadd.f32 v12, v11;
	v3 =	vmax.f32 v4, $0.0e+00  }
0xf0: {  	s29 =	simm.s32 $0x0;
	s12 =	simm.s32 $0x2AA0;
	s16 =	simm.s32 $0x240;
	v11 =	vadd.f32 v14, v13;
	v4 =	vshll.u32 v9, $0x10;
	[tilespmem:s19+$0x30] =	vst v3;
	v3 =	vand.u32 $0xFFFF0000, v9;
	v9 =	vld [tilespmem:s19+$0xFFFFFFF0]  }
.LBB2_7:
0xf1: {  	v13 =	vld [tilespmem:s12+$0x10];
	s29 =	sadd.s32 $0x4, s29;
	v12 =	vmax.f32 v12, $0.0e+00;
	v7 =	vadd.f32 v10, v7;
	s19 =	sadd.s32 $0x80, s19  }
0xf2: {  	v10 =	vld [tilespmem:s19+$0x30];
	p2 =	slt.u32 s29, $0x9C;
	[tilespmem:s16+$0xFFFFFFC0] =	vst v12;
	v11 =	vmax.f32 v11, $0.0e+00;
	v2 =	vadd.f32 v2, v5  }
0xf3: {  	v5 =	vld [tilespmem:s12+$0xFFFFFFF0];
	[tilespmem:s16+$0x0] =	vst v11;
	v7 =	vmax.f32 v7, $0.0e+00;
	v4 =	vadd.f32 v4, v6  }
0xf4: {  	v6 =	vld [tilespmem:s12+$0x0];
	[tilespmem:s16+$0xFFFFFFD0] =	vst v7;
	v2 =	vmax.f32 v2, $0.0e+00;
	v3 =	vadd.f32 v3, v8  }
0xf5: {  	v8 =	vld [tilespmem:s12+$0xFFFFFFE0];
	[tilespmem:s16+$0x10] =	vst v2;
	v2 =	vmax.f32 v4, $0.0e+00;
	v4 =	vadd.f32 v1, v9  }
0xf6: {  	v9 =	vld [tilespmem:s19+$0xFFFFFFC0];
	v1 =	vshll.u32 v13, $0x10;
	v7 =	vand.u32 $0xFFFF0000, v13;
	[tilespmem:s16+$0xFFFFFFE0] =	vst v2;
	v2 =	vmax.f32 v3, $0.0e+00  }
0xf7: {  	v11 =	vld [tilespmem:s19+$0x0];
	v12 =	vadd.f32 v7, v10;
	[tilespmem:s16+$0x20] =	vst v2;
	v3 =	vmax.f32 v4, $0.0e+00  }
.Ltmp4:
0xf8: {  	v10 =	vshll.u32 v5, $0x10;
	v2 =	vand.u32 $0xFFFF0000, v5;
	v7 =	vld [tilespmem:s19+$0xFFFFFFD0];
	[tilespmem:s16+$0xFFFFFFF0] =	vst v3;
	s16 =	smov.u32 s19;
	(pc) =	sbr.rel @p2 .LBB2_7-.Ltmp4, $4  }
0xf9: {  	v5 =	vld [tilespmem:s19+$0x10];
	v4 =	vshll.u32 v6, $0x10;
	v3 =	vand.u32 $0xFFFF0000, v6;
	v12 =	vmax.f32 v12, $0.0e+00  }
0xfa: {  	v13 =	vshll.u32 v8, $0x10;
	v14 =	vand.u32 $0xFFFF0000, v8;
	v6 =	vld [tilespmem:s19+$0xFFFFFFE0];
	[tilespmem:s19+$0x30] =	vst v12  }
0xfb: {  	v12 =	vadd.f32 v13, v9;
	v8 =	vld [tilespmem:s19+$0x20]  }
0xfc: {  	s12 =	sadd.s32 $0x80, s12;
	v11 =	vadd.f32 v14, v11;
	v9 =	vld [tilespmem:s19+$0xFFFFFFF0]  }
0xfd: {  	v12 =	vmax.f32 v12, $0.0e+00;
	v7 =	vadd.f32 v10, v7  }
0xfe: {  	[tilespmem:s16+$0xFFFFFFC0] =	vst v12;
	v10 =	vmax.f32 v11, $0.0e+00;
	v2 =	vadd.f32 v2, v5  }
0xff: {  	[tilespmem:s16+$0x0] =	vst v10;
	v5 =	vmax.f32 v7, $0.0e+00;
	v4 =	vadd.f32 v4, v6  }
0x100: {  	[tilespmem:s16+$0xFFFFFFD0] =	vst v5;
	v2 =	vmax.f32 v2, $0.0e+00;
	v3 =	vadd.f32 v3, v8  }
0x101: {  	[tilespmem:s16+$0x10] =	vst v2;
	v2 =	vmax.f32 v4, $0.0e+00;
	v1 =	vadd.f32 v1, v9  }
0x102: {  	[tilespmem:s16+$0xFFFFFFE0] =	vst v2;
	v2 =	vmax.f32 v3, $0.0e+00  }
0x103: {  	[tilespmem:s16+$0x20] =	vst v2;
	v1 =	vmax.f32 v1, $0.0e+00  }
0x104: {  	[tilespmem:s16+$0xFFFFFFF0] =	vst v1  }
0x105: {  	_ =	swait.ge [sflag:s3], $0x28  }
0x106: {  	[sflag:s3] =	ssyncset.done $0x0  }
0x107: {  	[sflag:s3] =	ssyncadd.s32 $0xFFFFFFD8  }
0x108: {  	[spmem:s2] =	stream.indirect.scatter.add.f32 [tilespmem:s21], [sflag:$0xA], $0x80, s31, s20, $0xb8;
	[tilespmem:$0x19E80] =	vst v63  }
0x109: {  	_ =	swait.ge [sflag:s28], $0x1400  }
0x10a: {  	s12 =	sadd.s32 @!p1 s6, s17;
	[sflag:s28] =	ssyncset.done $0x0  }
0x10b: {  	s17 =	simm.s32 @!p1 $0x100;
	s16 =	simm.s32 @!p1 $0x0;
	[sflag:s28] =	ssyncadd.s32 $0xFFFFEC00  }
0x10c: {  	[tilespmem:s17], [sflag:$0x7] =	stream.linear.gather @!p1 [hbm4b:s12+s16], $0x28, $0x38;
	[tilespmem:$0x19E80] =	vst v63  }
0x10d: {  	s12 =	simm.s32 @!p1 $0x5  }
0x10e: {  	_ =	swait.ge @!p1 [sflag:s12], $0x28  }
0x10f: {  	[sflag:s12] =	ssyncset.done @!p1 $0x0  }
0x110: {  	s17 =	simm.s32 @!p1 $0x200;
	[sflag:s12] =	ssyncadd.s32 @!p1 $0xFFFFFFD8;
	s12 =	simm.s32 @!p1 $0x28  }
0x111: {  	[tilespmem:s17], [sflag:$0x1] =	stream.indirect.gather @!p1 [hbm4b:s1+s12], $0x80, s16, s12, $0xb8;
	[tilespmem:$0x19E80] =	vst v63  }
0x112: {  	s12 =	sshll.u32 @!p1 s15, $0x4  }
0x113: {  	s15 =	simm.s32 @!p1 $0x2A00;
	s12 =	sadd.s32 @!p1 s8, s12  }
0x114: {  	[tilespmem:s15], [sflag:$0x3] =	stream.linear.gather @!p1 [hbm4b:s12+s16], $0x1400, $0x38;
	[tilespmem:$0x19E80] =	vst v63  }
0x115: {  	s14 =	sadd.s32 $0x3, s14;
	_ =	swait.ge [sflag:s9], $0x1400  }
0x116: {  	s12 =	smul.u32 @!p1 $0x28, s14;
	[sflag:s9] =	ssyncset.done $0x0  }
0x117: {  	[sflag:s9] =	ssyncadd.s32 $0xFFFFEC00  }
0x118: {  	s12 =	sadd.s32 @!p1 s7, s12;
	_ =	swait.ge [sflag:s10], $0x1400  }
0x119: {  	s29 =	simm.s32 $0x3E20;
	s12 =	sshrl.u32 @!p1 s12, $0x3;
	[sflag:s10] =	ssyncset.done $0x0  }
0x11a: {  	s15 =	simm.s32 @!p1 $0x80;
	s12 =	sadd.s32 @!p1 s5, s12;
	[sflag:s10] =	ssyncadd.s32 $0xFFFFEC00  }
0x11b: {  	[tilespmem:s15], [sflag:$0x6] =	stream.linear.gather @!p1 [hbm4b:s12+s16], $0x28, $0x38;
	[tilespmem:$0x19E80] =	vst v63  }
0x11c: {  	s15 =	simm.s32 $0x1640;
	v1 =	vld [tilespmem:s29+$0x10]  }
0x11d: {  	v2 =	vld [tilespmem:s15+$0x30]  }
0x11e: {  	v3 =	vld [tilespmem:s29+$0xFFFFFFF0]  }
0x11f: {  	v9 =	vld [tilespmem:s29+$0x0]  }
0x120: {  	v8 =	vld [tilespmem:s29+$0xFFFFFFE0]  }
0x121: {  	v11 =	vld [tilespmem:s15+$0xFFFFFFC0]  }
0x122: {  	v13 =	vld [tilespmem:s15+$0x0]  }
0x123: {  	v7 =	vld [tilespmem:s15+$0xFFFFFFD0];
	v4 =	vand.u32 $0xFFFF0000, v1  }
0x124: {  	v5 =	vld [tilespmem:s15+$0x10];
	v1 =	vshll.u32 v1, $0x10;
	v4 =	vadd.f32 v4, v2  }
0x125: {  	v6 =	vld [tilespmem:s15+$0xFFFFFFE0];
	v10 =	vshll.u32 v3, $0x10;
	v12 =	vshll.u32 v8, $0x10;
	v14 =	vand.u32 $0xFFFF0000, v8  }
0x126: {  	v8 =	vld [tilespmem:s15+$0x20];
	v2 =	vand.u32 $0xFFFF0000, v3;
	v12 =	vadd.f32 v12, v11;
	v3 =	vmax.f32 v4, $0.0e+00  }
0x127: {  	s17 =	simm.s32 $0x0;
	s12 =	simm.s32 $0x3EA0;
	s16 =	simm.s32 $0x1640;
	v11 =	vadd.f32 v14, v13;
	v4 =	vshll.u32 v9, $0x10;
	[tilespmem:s15+$0x30] =	vst v3;
	v3 =	vand.u32 $0xFFFF0000, v9;
	v9 =	vld [tilespmem:s15+$0xFFFFFFF0]  }
.LBB2_9:
0x128: {  	v13 =	vld [tilespmem:s12+$0x10];
	s17 =	sadd.s32 $0x4, s17;
	v12 =	vmax.f32 v12, $0.0e+00;
	v7 =	vadd.f32 v10, v7;
	s15 =	sadd.s32 $0x80, s15  }
0x129: {  	v10 =	vld [tilespmem:s15+$0x30];
	p2 =	slt.u32 s17, $0x9C;
	[tilespmem:s16+$0xFFFFFFC0] =	vst v12;
	v11 =	vmax.f32 v11, $0.0e+00;
	v2 =	vadd.f32 v2, v5  }
0x12a: {  	v5 =	vld [tilespmem:s12+$0xFFFFFFF0];
	[tilespmem:s16+$0x0] =	vst v11;
	v7 =	vmax.f32 v7, $0.0e+00;
	v4 =	vadd.f32 v4, v6  }
0x12b: {  	v6 =	vld [tilespmem:s12+$0x0];
	[tilespmem:s16+$0xFFFFFFD0] =	vst v7;
	v2 =	vmax.f32 v2, $0.0e+00;
	v3 =	vadd.f32 v3, v8  }
0x12c: {  	v8 =	vld [tilespmem:s12+$0xFFFFFFE0];
	[tilespmem:s16+$0x10] =	vst v2;
	v2 =	vmax.f32 v4, $0.0e+00;
	v4 =	vadd.f32 v1, v9  }
0x12d: {  	v9 =	vld [tilespmem:s15+$0xFFFFFFC0];
	v1 =	vshll.u32 v13, $0x10;
	v7 =	vand.u32 $0xFFFF0000, v13;
	[tilespmem:s16+$0xFFFFFFE0] =	vst v2;
	v2 =	vmax.f32 v3, $0.0e+00  }
0x12e: {  	v11 =	vld [tilespmem:s15+$0x0];
	v12 =	vadd.f32 v7, v10;
	[tilespmem:s16+$0x20] =	vst v2;
	v3 =	vmax.f32 v4, $0.0e+00  }
.Ltmp5:
0x12f: {  	v10 =	vshll.u32 v5, $0x10;
	v2 =	vand.u32 $0xFFFF0000, v5;
	v7 =	vld [tilespmem:s15+$0xFFFFFFD0];
	[tilespmem:s16+$0xFFFFFFF0] =	vst v3;
	s16 =	smov.u32 s15;
	(pc) =	sbr.rel @p2 .LBB2_9-.Ltmp5, $4  }
0x130: {  	v5 =	vld [tilespmem:s15+$0x10];
	v4 =	vshll.u32 v6, $0x10;
	v3 =	vand.u32 $0xFFFF0000, v6;
	v12 =	vmax.f32 v12, $0.0e+00  }
0x131: {  	v13 =	vshll.u32 v8, $0x10;
	v14 =	vand.u32 $0xFFFF0000, v8;
	v6 =	vld [tilespmem:s15+$0xFFFFFFE0];
	[tilespmem:s15+$0x30] =	vst v12  }
0x132: {  	v12 =	vadd.f32 v13, v9;
	v8 =	vld [tilespmem:s15+$0x20]  }
0x133: {  	s12 =	sadd.s32 $0x80, s12;
	v11 =	vadd.f32 v14, v11;
	v9 =	vld [tilespmem:s15+$0xFFFFFFF0]  }
0x134: {  	v12 =	vmax.f32 v12, $0.0e+00;
	v7 =	vadd.f32 v10, v7  }
0x135: {  	[tilespmem:s16+$0xFFFFFFC0] =	vst v12;
	v62 =	vmax.f32 v11, $0.0e+00;
	v2 =	vadd.f32 v2, v5  }
0x136: {  	[tilespmem:s16+$0x0] =	vst v62;
	v63 =	vmax.f32 v7, $0.0e+00;
	v4 =	vadd.f32 v4, v6  }
0x137: {  	[tilespmem:s16+$0xFFFFFFD0] =	vst v63;
	v2 =	vmax.f32 v2, $0.0e+00;
	v3 =	vadd.f32 v3, v8  }
0x138: {  	[tilespmem:s16+$0x10] =	vst v2;
	v2 =	vmax.f32 v4, $0.0e+00;
	v1 =	vadd.f32 v1, v9  }
0x139: {  	[tilespmem:s16+$0xFFFFFFE0] =	vst v2;
	v2 =	vmax.f32 v3, $0.0e+00  }
0x13a: {  	[tilespmem:s16+$0x20] =	vst v2;
	v1 =	vmax.f32 v1, $0.0e+00  }
0x13b: {  	[tilespmem:s16+$0xFFFFFFF0] =	vst v1  }
0x13c: {  	_ =	swait.ge [sflag:s11], $0x28  }
0x13d: {  	[sflag:s11] =	ssyncset.done $0x0  }
.Ltmp6:
0x13e: {  	[sflag:s11] =	ssyncadd.s32 $0xFFFFFFD8;
	(pc) =	sbr.rel @p1 .LBB2_12-.Ltmp6, $4  }
0x13f: {  	[spmem:s2] =	stream.indirect.scatter.add.f32 [tilespmem:s23], [sflag:$0xA], $0x80, s18, s20, $0xb8;
	[tilespmem:$0x19E80] =	vst v63  }
0x140: {  	_ =	swait.ge [sflag:s28], $0x1400  }
0x141: {  	[sflag:s28] =	ssyncset.done $0x0  }
0x142: {  	[sflag:s28] =	ssyncadd.s32 $0xFFFFEC00  }
0x143: {  	s12 =	smul.u32 $0x28, s14;
	_ =	sdelay $0x1  }
0x144: {  	s12 =	sadd.s32 s7, s12  }
0x145: {  	s29 =	sshrl.u32 s12, $0x3  }
0x146: {  	s14 =	sadd.s32 s6, s29  }
0x147: {  	[tilespmem:s18], [sflag:$0x8] =	stream.linear.gather [hbm4b:s14+s4], $0x28, $0x38;
	[tilespmem:$0x19E80] =	vst v63  }
0x148: {  	_ =	swait.ge [sflag:s22], $0x28  }
.Ltmp7:
0x149: {  	[sflag:s22] =	ssyncset.done $0x0;
	(pc) =	sbr.rel .LBB2_6-.Ltmp7, $4  }
0x14a: {  	s12 =	sshll.u32 s12, $0x4;
	[sflag:s22] =	ssyncadd.s32 $0xFFFFFFD8  }
0x14b: {  	[tilespmem:s23], [sflag:$0x2] =	stream.indirect.gather [hbm4b:s1+s20], $0x80, s0, s20, $0xb8;
	[tilespmem:$0x19E80] =	vst v63  }
0x14c: {  	s13 =	sadd.s32 $0x1, s13;
	s12 =	sadd.s32 s8, s12  }
0x14d: {  	[tilespmem:s24], [sflag:$0x4] =	stream.linear.gather [hbm4b:s12+s4], $0x1400, $0x38;
	[tilespmem:$0x19E80] =	vst v63  }
.LBB2_13:
0x14e: {  	_ =	sfence.sel $0x180000  }
0x14f: {  	[bflag:$0x0] =	sbarrier.arrive $0xFFFF  }
0x150: {  	_ =	strace $0x90000047  }
0x151: {  	s0 =	stileid.u32;
	[bflag:$0x2] =	sbarrier.arrive $0xFFFF  }
0x152: {  	p0 =	sne.s32 s0, $0x0;
	s0 =	rddreg [dreg:$0x3]  }
0x153: {  	s0 =	sadd.s32 @!p0 $0x100000, s0  }
0x154: {  	[sflag:s0] =	ssyncadd.tile.s32 @!p0 $0x1;
	_ =	shalt  }
.Lfunc_end2:
_tile_overlayer_lowered:
.L_overlay_start_2:
0x155: {  	(tag) =	ssettag $0x2  }
0x156: {  	s0 =	rddreg [dreg:$0x0];
	s2 =	stileid.u32  }
0x157: {  	s1 =	rddreg [dreg:$0x1];
	p0 =	sne.s32 s2, $0x0  }
0x158: {  	s3 =	rddreg [dreg:$0x2];
	[bflag:$0x3] =	sbarrier.arrive $0xFFFF;
	s2 =	simm.s32 @!p0 $0x1C0A  }
0x159: {  	[timem:s3], [sflag:s2] =	dma.local @!p0 [hbm:s0], s1  }
0x15a: {  	s0 =	simm.s32 @!p0 $0xA  }
0x15b: {  	_ =	swait.ge @!p0 [sflag:s0], s1  }
0x15c: {  	s1 =	ssub.s32 @!p0 $0x0, s1;
	[sflag:s0] =	ssyncset.done @!p0 $0x0  }
0x15d: {  	[sflag:s0] =	ssyncadd.s32 @!p0 s1  }
0x15e: {  	[bflag:$0x3] =	sbarrier.arrive $0xFFFF  }
0x15f: {  	_ =	shalt  }

</sc_bundles>
